<compile_context>
chip_gen: v7x
topology: tpu7x:2x2x1
jax: 0.10.2.dev20260603
libtpu: 0.0.44.dev20260713+nightly
codegen_flags: <defaults>
</compile_context>

<pallas_src>
import functools
import math

import jax
import jax.numpy as jnp
from jax import lax
from jax.experimental import pallas as pl
from jax.experimental.pallas import tpu as pltpu
from jax.experimental.pallas import tpu_sc as plsc

_EMB = 32
_SCALE = math.sqrt(_EMB)

_NC = 2
_NS = 16
_NW = _NC * _NS
_LANES = 16

_CH = 128


@functools.lru_cache(maxsize=None)
def _make_lookup(batch: int):
    bpw = batch // _NW
    nchunk = bpw // _CH
    mesh = plsc.VectorSubcoreMesh(
        core_axis_name="c", subcore_axis_name="s",
        num_cores=_NC, num_subcores=_NS)

    @functools.partial(
        pl.kernel,
        out_type=jax.ShapeDtypeStruct((batch, _EMB), jnp.float32),
        mesh=mesh,
        compiler_params=pltpu.CompilerParams(use_tc_tiling_on_sc=False),
        scratch_types=[
            pltpu.VMEM((nchunk, _CH), jnp.int32),
            pltpu.VMEM((_CH, _EMB), jnp.float32),
            pltpu.VMEM((_CH, _EMB), jnp.float32),
            pltpu.SemaphoreType.DMA,
            pltpu.SemaphoreType.DMA,
            pltpu.SemaphoreType.DMA,
            pltpu.SemaphoreType.DMA,
        ],
    )
    def lookup(tokens_hbm, table_hbm, out_hbm,
               idx_v, rows0, rows1, gsem0, gsem1, osem0, osem1):
        wid = lax.axis_index("s") * _NC + lax.axis_index("c")
        base = wid * bpw
        pltpu.sync_copy(tokens_hbm.at[wid], idx_v)

        bufs = (rows0, rows1)
        gsems = (gsem0, gsem1)
        osems = (osem0, osem1)

        for b in range(2):
            pltpu.async_copy(table_hbm.at[idx_v.at[b]], bufs[b], gsems[b])

        @pl.loop(0, nchunk, step=2)
        def _grp(g):
            for b in range(2):
                j = g + b
                buf, gs, osm = bufs[b], gsems[b], osems[b]
                pltpu.make_async_copy(table_hbm.at[idx_v.at[b]], buf, gs).wait()

                @pl.loop(0, _CH, unroll=8)
                def _scale(r):
                    for h in range(_EMB // _LANES):
                        sl = pl.ds(h * _LANES, _LANES)
                        buf[r, sl] = buf[r, sl] * _SCALE

                dst = out_hbm.at[pl.ds(base + j * _CH, _CH)]
                pltpu.async_copy(buf, dst, osm)
                pltpu.make_async_copy(buf, dst, osm).wait()

                @pl.when(j + 2 < nchunk)
                def _():
                    pltpu.async_copy(
                        table_hbm.at[idx_v.at[j + 2]], buf, gs)

    return lookup


def kernel(tokens, table):
    batch, hist = tokens.shape
    b = batch * hist
    idx = tokens.astype(jnp.int32).reshape(_NW, b // (_NW * _CH), _CH)
    out = _make_lookup(b)(idx, table)
    return out.reshape(batch, hist, _EMB)

# --- scband reference (transcript-rebuilt; emitter-appended) ---
"""Pipeline reference for scband-token-embedding-25262997635791 (READ-ONLY COPY).

The authoritative reference and input builder live on the scoring server;
editing this copy changes nothing except your own understanding.
"""

import jax, jax.numpy as jnp
import numpy as np
import math

VOCAB = 1000000
EMB = 32
BATCH = 16384
HIST = 20

def setup_inputs(seed: int = 0) -> dict:
    key = jax.random.key(seed)
    k1, k2 = jax.random.split(key)
    tokens = jax.random.randint(k1, (BATCH, HIST), 0, VOCAB, dtype=jnp.int64 if jax.config.jax_enable_x64 else jnp.int32)
    table = jax.random.normal(k2, (VOCAB, EMB), dtype=jnp.float32)
    return {"tokens": tokens, "table": table}

def reference(tokens, table):
    emb = jnp.take(table, tokens, axis=0)
    return emb * math.sqrt(EMB)

if __name__ == "__main__":
    import jax
    _d = setup_inputs()
    print(jax.jit(kernel)(*tuple(_d.values())))

</pallas_src>

<mosaic_0001>
#map = affine_map<(d0, d1) -> (0, 0, 0)>
#map1 = affine_map<(d0, d1) -> (0, 0)>
module attributes {stable_mosaic.version = 14 : i64} {
  func.func @lookup(%arg0: i32, %arg1: i32, %arg2: memref<32x80x128xi32, #tpu.memory_space<hbm>>, %arg3: memref<1000000x32xf32, #tpu.memory_space<hbm>>, %arg4: memref<327680x32xf32, #tpu.memory_space<hbm>>, %arg5: memref<80x128xi32, #tpu.memory_space<vmem>>, %arg6: memref<128x32xf32, #tpu.memory_space<vmem>>, %arg7: memref<128x32xf32, #tpu.memory_space<vmem>>, %arg8: memref<!tpu.dma_semaphore, #tpu.memory_space<semaphore_mem>>, %arg9: memref<!tpu.dma_semaphore, #tpu.memory_space<semaphore_mem>>, %arg10: memref<!tpu.dma_semaphore, #tpu.memory_space<semaphore_mem>>, %arg11: memref<!tpu.dma_semaphore, #tpu.memory_space<semaphore_mem>>) attributes {dimension_semantics = [#tpu.dimension_semantics<core_parallel>, #tpu.dimension_semantics<subcore_parallel>], iteration_bounds = array<i64: 2, 16>, scalar_prefetch = 0 : i64, scratch_operands = 7 : i64, tpu.core_type = #tpu.core_type<sc_vector_subcore>, window_params = [{transform_indices = #map}, {transform_indices = #map1}, {transform_indices = #map1}]} {
    %mul3A = arith.constant 2 : i32
    %mul3A_0 = arith.muli %arg1, %mul3A : i32
    %add3A = arith.addi %mul3A_0, %arg0 : i32
    %mul3A_1 = arith.constant 10240 : i32
    %mul3A_2 = arith.muli %add3A, %mul3A_1 : i32
    "tpu.region"() ({
      %run_scoped3A = tpu.sem_alloc : memref<!tpu.dma_semaphore, #tpu.memory_space<semaphore_mem>>
      %dma_start3A_20 = arith.constant 0 : i32
      %dma_start3A_21 = arith.constant 0 : i32
      %dma_start3A_22 = tpu.memref_slice %arg2[%add3A, %dma_start3A_20, %dma_start3A_21] : memref<32x80x128xi32, #tpu.memory_space<hbm>> -> memref<1x80x128xi32, #tpu.memory_space<hbm>>
      %dma_start3A_23 = tpu.memref_squeeze %dma_start3A_22 : memref<1x80x128xi32, #tpu.memory_space<hbm>> -> memref<80x128xi32, #tpu.memory_space<hbm>>
      %dma_start3A_24 = arith.constant 0 : i32
      %dma_start3A_25 = arith.constant 0 : i32
      %dma_start3A_26 = tpu.memref_slice %arg2[%add3A, %dma_start3A_24, %dma_start3A_25] : memref<32x80x128xi32, #tpu.memory_space<hbm>> -> memref<1x80x128xi32, #tpu.memory_space<hbm>>
      %dma_start3A_27 = tpu.memref_squeeze %dma_start3A_26 : memref<1x80x128xi32, #tpu.memory_space<hbm>> -> memref<80x128xi32, #tpu.memory_space<hbm>>
      tpu.enqueue_dma source(%dma_start3A_27 : memref<80x128xi32, #tpu.memory_space<hbm>>) target(%arg5 : memref<80x128xi32, #tpu.memory_space<vmem>>) target_semaphore(%run_scoped3A : memref<!tpu.dma_semaphore, #tpu.memory_space<semaphore_mem>>)
      %dma_wait3A = arith.constant 0 : i32
      %dma_wait3A_28 = arith.constant 0 : i32
      %dma_wait3A_29 = tpu.memref_slice %arg2[%add3A, %dma_wait3A, %dma_wait3A_28] : memref<32x80x128xi32, #tpu.memory_space<hbm>> -> memref<1x80x128xi32, #tpu.memory_space<hbm>>
      %dma_wait3A_30 = tpu.memref_squeeze %dma_wait3A_29 : memref<1x80x128xi32, #tpu.memory_space<hbm>> -> memref<80x128xi32, #tpu.memory_space<hbm>>
      %dma_wait3A_31 = arith.constant 0 : i32
      %dma_wait3A_32 = arith.constant 0 : i32
      %dma_wait3A_33 = tpu.memref_slice %arg2[%add3A, %dma_wait3A_31, %dma_wait3A_32] : memref<32x80x128xi32, #tpu.memory_space<hbm>> -> memref<1x80x128xi32, #tpu.memory_space<hbm>>
      %dma_wait3A_34 = tpu.memref_squeeze %dma_wait3A_33 : memref<1x80x128xi32, #tpu.memory_space<hbm>> -> memref<80x128xi32, #tpu.memory_space<hbm>>
      tpu.wait_dma2 semaphore(%run_scoped3A : memref<!tpu.dma_semaphore, #tpu.memory_space<semaphore_mem>>) src(%dma_wait3A_34 : memref<80x128xi32, #tpu.memory_space<hbm>>) dst(%arg5 : memref<80x128xi32, #tpu.memory_space<vmem>>)
      tpu.yield
    }) : () -> ()
    %dma_start3A = arith.constant 0 : i32
    %dma_start3A_3 = arith.constant 0 : i32
    %dma_start3A_4 = tpu.memref_slice %arg5[%dma_start3A, %dma_start3A_3] : memref<80x128xi32, #tpu.memory_space<vmem>> -> memref<1x128xi32, #tpu.memory_space<vmem>>
    %dma_start3A_5 = tpu.memref_squeeze %dma_start3A_4 : memref<1x128xi32, #tpu.memory_space<vmem>> -> memref<128xi32, #tpu.memory_space<vmem>>
    %dma_start3A_6 = arith.constant 0 : i32
    %dma_start3A_7 = arith.constant 0 : i32
    %dma_start3A_8 = tpu.memref_slice %arg3[%dma_start3A_6, %dma_start3A_7] : memref<1000000x32xf32, #tpu.memory_space<hbm>> -> memref<1000000x32xf32, #tpu.memory_space<hbm>>
    tpu.enqueue_indirect_dma source(%dma_start3A_8 : memref<1000000x32xf32, #tpu.memory_space<hbm>>) target(%arg6 : memref<128x32xf32, #tpu.memory_space<vmem>>) offsets(%dma_start3A_5 : memref<128xi32, #tpu.memory_space<vmem>>) semaphore(%arg8 : memref<!tpu.dma_semaphore, #tpu.memory_space<semaphore_mem>>)
    %dma_start3A_9 = arith.constant 1 : i32
    %dma_start3A_10 = arith.constant 0 : i32
    %dma_start3A_11 = tpu.memref_slice %arg5[%dma_start3A_9, %dma_start3A_10] : memref<80x128xi32, #tpu.memory_space<vmem>> -> memref<1x128xi32, #tpu.memory_space<vmem>>
    %dma_start3A_12 = tpu.memref_squeeze %dma_start3A_11 : memref<1x128xi32, #tpu.memory_space<vmem>> -> memref<128xi32, #tpu.memory_space<vmem>>
    %dma_start3A_13 = arith.constant 0 : i32
    %dma_start3A_14 = arith.constant 0 : i32
    %dma_start3A_15 = tpu.memref_slice %arg3[%dma_start3A_13, %dma_start3A_14] : memref<1000000x32xf32, #tpu.memory_space<hbm>> -> memref<1000000x32xf32, #tpu.memory_space<hbm>>
    tpu.enqueue_indirect_dma source(%dma_start3A_15 : memref<1000000x32xf32, #tpu.memory_space<hbm>>) target(%arg7 : memref<128x32xf32, #tpu.memory_space<vmem>>) offsets(%dma_start3A_12 : memref<128xi32, #tpu.memory_space<vmem>>) semaphore(%arg9 : memref<!tpu.dma_semaphore, #tpu.memory_space<semaphore_mem>>)
    %scan3A = arith.constant 0 : i32
    %scan3A_16 = arith.constant 40 : i32
    %scan3A_17 = arith.addi %scan3A, %scan3A_16 : i32
    %scan3A_18 = arith.constant 1 : i32
    scf.for %scan3A_20 = %scan3A to %scan3A_17 step %scan3A_18  : i32 {
      %mul3A_21 = arith.constant 2 : i32
      %mul3A_22 = arith.muli %scan3A_20, %mul3A_21 : i32
      %add3A_23 = arith.constant 0 : i32
      %add3A_24 = arith.addi %add3A_23, %mul3A_22 : i32
      %add3A_25 = arith.constant 0 : i32
      %add3A_26 = arith.addi %add3A_24, %add3A_25 : i32
      %dma_wait3A = arith.constant 0 : i32
      %dma_wait3A_27 = arith.constant 0 : i32
      %dma_wait3A_28 = tpu.memref_slice %arg5[%dma_wait3A, %dma_wait3A_27] : memref<80x128xi32, #tpu.memory_space<vmem>> -> memref<1x128xi32, #tpu.memory_space<vmem>>
      %dma_wait3A_29 = tpu.memref_squeeze %dma_wait3A_28 : memref<1x128xi32, #tpu.memory_space<vmem>> -> memref<128xi32, #tpu.memory_space<vmem>>
      %dma_wait3A_30 = arith.constant 0 : i32
      %dma_wait3A_31 = arith.constant 0 : i32
      %dma_wait3A_32 = tpu.memref_slice %arg3[%dma_wait3A_30, %dma_wait3A_31] : memref<1000000x32xf32, #tpu.memory_space<hbm>> -> memref<1000000x32xf32, #tpu.memory_space<hbm>>
      tpu.wait_indirect_dma semaphore(%arg8 : memref<!tpu.dma_semaphore, #tpu.memory_space<semaphore_mem>>) src(%dma_wait3A_32 : memref<1000000x32xf32, #tpu.memory_space<hbm>>) dst(%arg6 : memref<128x32xf32, #tpu.memory_space<vmem>>)
      %scan3A_33 = arith.constant 0 : i32
      %scan3A_34 = arith.constant 128 : i32
      %scan3A_35 = arith.addi %scan3A_33, %scan3A_34 : i32
      %scan3A_36 = arith.constant 8 : i32
      scf.for %scan3A_85 = %scan3A_33 to %scan3A_35 step %scan3A_36  : i32 {
        %mul3A_86 = arith.constant 1 : i32
        %mul3A_87 = arith.muli %scan3A_85, %mul3A_86 : i32
        %add3A_88 = arith.constant 0 : i32
        %add3A_89 = arith.addi %add3A_88, %mul3A_87 : i32
        %get3A = arith.index_cast %add3A_89 : i32 to index
        %get3A_90 = arith.constant 0 : index
        %get3A_91 = tpu.vector_load %arg6[%get3A, %get3A_90] {strides = array<i32>} : memref<128x32xf32, #tpu.memory_space<vmem>>, vector<1x16xf32>,
        %get3A_92 = vector.shape_cast %get3A_91 : vector<1x16xf32> to vector<16xf32>
        %mul3A_93 = arith.constant 5.65685415 : f32
        %mul3A_94 = vector.broadcast %mul3A_93 : f32 to vector<16xf32>
        %mul3A_95 = arith.mulf %get3A_92, %mul3A_94 : vector<16xf32>
        %swap3A = arith.index_cast %add3A_89 : i32 to index
        %swap3A_96 = arith.constant 0 : index
        %swap3A_97 = tpu.vector_load %arg6[%swap3A, %swap3A_96] {strides = array<i32>} : memref<128x32xf32, #tpu.memory_space<vmem>>, vector<1x16xf32>,
        %swap3A_98 = vector.shape_cast %swap3A_97 : vector<1x16xf32> to vector<16xf32>
        %swap3A_99 = vector.shape_cast %mul3A_95 : vector<16xf32> to vector<1x16xf32>
        tpu.vector_store %arg6[%swap3A, %swap3A_96], %swap3A_99 {strides = array<i32>} : memref<128x32xf32, #tpu.memory_space<vmem>>, vector<1x16xf32>,
        %get3A_100 = arith.index_cast %add3A_89 : i32 to index
        %get3A_101 = arith.constant 16 : index
        %get3A_102 = tpu.vector_load %arg6[%get3A_100, %get3A_101] {strides = array<i32>} : memref<128x32xf32, #tpu.memory_space<vmem>>, vector<1x16xf32>,
        %get3A_103 = vector.shape_cast %get3A_102 : vector<1x16xf32> to vector<16xf32>
        %mul3A_104 = arith.constant 5.65685415 : f32
        %mul3A_105 = vector.broadcast %mul3A_104 : f32 to vector<16xf32>
        %mul3A_106 = arith.mulf %get3A_103, %mul3A_105 : vector<16xf32>
        %swap3A_107 = arith.index_cast %add3A_89 : i32 to index
        %swap3A_108 = arith.constant 16 : index
        %swap3A_109 = tpu.vector_load %arg6[%swap3A_107, %swap3A_108] {strides = array<i32>} : memref<128x32xf32, #tpu.memory_space<vmem>>, vector<1x16xf32>,
        %swap3A_110 = vector.shape_cast %swap3A_109 : vector<1x16xf32> to vector<16xf32>
        %swap3A_111 = vector.shape_cast %mul3A_106 : vector<16xf32> to vector<1x16xf32>
        tpu.vector_store %arg6[%swap3A_107, %swap3A_108], %swap3A_111 {strides = array<i32>} : memref<128x32xf32, #tpu.memory_space<vmem>>, vector<1x16xf32>,
        %scan3A_112 = arith.constant 1 : i32
        %scan3A_113 = arith.addi %scan3A_85, %scan3A_112 : i32
        %mul3A_114 = arith.constant 1 : i32
        %mul3A_115 = arith.muli %scan3A_113, %mul3A_114 : i32
        %add3A_116 = arith.constant 0 : i32
        %add3A_117 = arith.addi %add3A_116, %mul3A_115 : i32
        %get3A_118 = arith.index_cast %add3A_117 : i32 to index
        %get3A_119 = arith.constant 0 : index
        %get3A_120 = tpu.vector_load %arg6[%get3A_118, %get3A_119] {strides = array<i32>} : memref<128x32xf32, #tpu.memory_space<vmem>>, vector<1x16xf32>,
        %get3A_121 = vector.shape_cast %get3A_120 : vector<1x16xf32> to vector<16xf32>
        %mul3A_122 = arith.constant 5.65685415 : f32
        %mul3A_123 = vector.broadcast %mul3A_122 : f32 to vector<16xf32>
        %mul3A_124 = arith.mulf %get3A_121, %mul3A_123 : vector<16xf32>
        %swap3A_125 = arith.index_cast %add3A_117 : i32 to index
        %swap3A_126 = arith.constant 0 : index
        %swap3A_127 = tpu.vector_load %arg6[%swap3A_125, %swap3A_126] {strides = array<i32>} : memref<128x32xf32, #tpu.memory_space<vmem>>, vector<1x16xf32>,
        %swap3A_128 = vector.shape_cast %swap3A_127 : vector<1x16xf32> to vector<16xf32>
        %swap3A_129 = vector.shape_cast %mul3A_124 : vector<16xf32> to vector<1x16xf32>
        tpu.vector_store %arg6[%swap3A_125, %swap3A_126], %swap3A_129 {strides = array<i32>} : memref<128x32xf32, #tpu.memory_space<vmem>>, vector<1x16xf32>,
        %get3A_130 = arith.index_cast %add3A_117 : i32 to index
        %get3A_131 = arith.constant 16 : index
        %get3A_132 = tpu.vector_load %arg6[%get3A_130, %get3A_131] {strides = array<i32>} : memref<128x32xf32, #tpu.memory_space<vmem>>, vector<1x16xf32>,
        %get3A_133 = vector.shape_cast %get3A_132 : vector<1x16xf32> to vector<16xf32>
        %mul3A_134 = arith.constant 5.65685415 : f32
        %mul3A_135 = vector.broadcast %mul3A_134 : f32 to vector<16xf32>
        %mul3A_136 = arith.mulf %get3A_133, %mul3A_135 : vector<16xf32>
        %swap3A_137 = arith.index_cast %add3A_117 : i32 to index
        %swap3A_138 = arith.constant 16 : index
        %swap3A_139 = tpu.vector_load %arg6[%swap3A_137, %swap3A_138] {strides = array<i32>} : memref<128x32xf32, #tpu.memory_space<vmem>>, vector<1x16xf32>,
        %swap3A_140 = vector.shape_cast %swap3A_139 : vector<1x16xf32> to vector<16xf32>
        %swap3A_141 = vector.shape_cast %mul3A_136 : vector<16xf32> to vector<1x16xf32>
        tpu.vector_store %arg6[%swap3A_137, %swap3A_138], %swap3A_141 {strides = array<i32>} : memref<128x32xf32, #tpu.memory_space<vmem>>, vector<1x16xf32>,
        %scan3A_142 = arith.constant 2 : i32
        %scan3A_143 = arith.addi %scan3A_85, %scan3A_142 : i32
        %mul3A_144 = arith.constant 1 : i32
        %mul3A_145 = arith.muli %scan3A_143, %mul3A_144 : i32
        %add3A_146 = arith.constant 0 : i32
        %add3A_147 = arith.addi %add3A_146, %mul3A_145 : i32
        %get3A_148 = arith.index_cast %add3A_147 : i32 to index
        %get3A_149 = arith.constant 0 : index
        %get3A_150 = tpu.vector_load %arg6[%get3A_148, %get3A_149] {strides = array<i32>} : memref<128x32xf32, #tpu.memory_space<vmem>>, vector<1x16xf32>,
        %get3A_151 = vector.shape_cast %get3A_150 : vector<1x16xf32> to vector<16xf32>
        %mul3A_152 = arith.constant 5.65685415 : f32
        %mul3A_153 = vector.broadcast %mul3A_152 : f32 to vector<16xf32>
        %mul3A_154 = arith.mulf %get3A_151, %mul3A_153 : vector<16xf32>
        %swap3A_155 = arith.index_cast %add3A_147 : i32 to index
        %swap3A_156 = arith.constant 0 : index
        %swap3A_157 = tpu.vector_load %arg6[%swap3A_155, %swap3A_156] {strides = array<i32>} : memref<128x32xf32, #tpu.memory_space<vmem>>, vector<1x16xf32>,
        %swap3A_158 = vector.shape_cast %swap3A_157 : vector<1x16xf32> to vector<16xf32>
        %swap3A_159 = vector.shape_cast %mul3A_154 : vector<16xf32> to vector<1x16xf32>
        tpu.vector_store %arg6[%swap3A_155, %swap3A_156], %swap3A_159 {strides = array<i32>} : memref<128x32xf32, #tpu.memory_space<vmem>>, vector<1x16xf32>,
        %get3A_160 = arith.index_cast %add3A_147 : i32 to index
        %get3A_161 = arith.constant 16 : index
        %get3A_162 = tpu.vector_load %arg6[%get3A_160, %get3A_161] {strides = array<i32>} : memref<128x32xf32, #tpu.memory_space<vmem>>, vector<1x16xf32>,
        %get3A_163 = vector.shape_cast %get3A_162 : vector<1x16xf32> to vector<16xf32>
        %mul3A_164 = arith.constant 5.65685415 : f32
        %mul3A_165 = vector.broadcast %mul3A_164 : f32 to vector<16xf32>
        %mul3A_166 = arith.mulf %get3A_163, %mul3A_165 : vector<16xf32>
        %swap3A_167 = arith.index_cast %add3A_147 : i32 to index
        %swap3A_168 = arith.constant 16 : index
        %swap3A_169 = tpu.vector_load %arg6[%swap3A_167, %swap3A_168] {strides = array<i32>} : memref<128x32xf32, #tpu.memory_space<vmem>>, vector<1x16xf32>,
        %swap3A_170 = vector.shape_cast %swap3A_169 : vector<1x16xf32> to vector<16xf32>
        %swap3A_171 = vector.shape_cast %mul3A_166 : vector<16xf32> to vector<1x16xf32>
        tpu.vector_store %arg6[%swap3A_167, %swap3A_168], %swap3A_171 {strides = array<i32>} : memref<128x32xf32, #tpu.memory_space<vmem>>, vector<1x16xf32>,
        %scan3A_172 = arith.constant 3 : i32
        %scan3A_173 = arith.addi %scan3A_85, %scan3A_172 : i32
        %mul3A_174 = arith.constant 1 : i32
        %mul3A_175 = arith.muli %scan3A_173, %mul3A_174 : i32
        %add3A_176 = arith.constant 0 : i32
        %add3A_177 = arith.addi %add3A_176, %mul3A_175 : i32
        %get3A_178 = arith.index_cast %add3A_177 : i32 to index
        %get3A_179 = arith.constant 0 : index
        %get3A_180 = tpu.vector_load %arg6[%get3A_178, %get3A_179] {strides = array<i32>} : memref<128x32xf32, #tpu.memory_space<vmem>>, vector<1x16xf32>,
        %get3A_181 = vector.shape_cast %get3A_180 : vector<1x16xf32> to vector<16xf32>
        %mul3A_182 = arith.constant 5.65685415 : f32
        %mul3A_183 = vector.broadcast %mul3A_182 : f32 to vector<16xf32>
        %mul3A_184 = arith.mulf %get3A_181, %mul3A_183 : vector<16xf32>
        %swap3A_185 = arith.index_cast %add3A_177 : i32 to index
        %swap3A_186 = arith.constant 0 : index
        %swap3A_187 = tpu.vector_load %arg6[%swap3A_185, %swap3A_186] {strides = array<i32>} : memref<128x32xf32, #tpu.memory_space<vmem>>, vector<1x16xf32>,
        %swap3A_188 = vector.shape_cast %swap3A_187 : vector<1x16xf32> to vector<16xf32>
        %swap3A_189 = vector.shape_cast %mul3A_184 : vector<16xf32> to vector<1x16xf32>
        tpu.vector_store %arg6[%swap3A_185, %swap3A_186], %swap3A_189 {strides = array<i32>} : memref<128x32xf32, #tpu.memory_space<vmem>>, vector<1x16xf32>,
        %get3A_190 = arith.index_cast %add3A_177 : i32 to index
        %get3A_191 = arith.constant 16 : index
        %get3A_192 = tpu.vector_load %arg6[%get3A_190, %get3A_191] {strides = array<i32>} : memref<128x32xf32, #tpu.memory_space<vmem>>, vector<1x16xf32>,
        %get3A_193 = vector.shape_cast %get3A_192 : vector<1x16xf32> to vector<16xf32>
        %mul3A_194 = arith.constant 5.65685415 : f32
        %mul3A_195 = vector.broadcast %mul3A_194 : f32 to vector<16xf32>
        %mul3A_196 = arith.mulf %get3A_193, %mul3A_195 : vector<16xf32>
        %swap3A_197 = arith.index_cast %add3A_177 : i32 to index
        %swap3A_198 = arith.constant 16 : index
        %swap3A_199 = tpu.vector_load %arg6[%swap3A_197, %swap3A_198] {strides = array<i32>} : memref<128x32xf32, #tpu.memory_space<vmem>>, vector<1x16xf32>,
        %swap3A_200 = vector.shape_cast %swap3A_199 : vector<1x16xf32> to vector<16xf32>
        %swap3A_201 = vector.shape_cast %mul3A_196 : vector<16xf32> to vector<1x16xf32>
        tpu.vector_store %arg6[%swap3A_197, %swap3A_198], %swap3A_201 {strides = array<i32>} : memref<128x32xf32, #tpu.memory_space<vmem>>, vector<1x16xf32>,
        %scan3A_202 = arith.constant 4 : i32
        %scan3A_203 = arith.addi %scan3A_85, %scan3A_202 : i32
        %mul3A_204 = arith.constant 1 : i32
        %mul3A_205 = arith.muli %scan3A_203, %mul3A_204 : i32
        %add3A_206 = arith.constant 0 : i32
        %add3A_207 = arith.addi %add3A_206, %mul3A_205 : i32
        %get3A_208 = arith.index_cast %add3A_207 : i32 to index
        %get3A_209 = arith.constant 0 : index
        %get3A_210 = tpu.vector_load %arg6[%get3A_208, %get3A_209] {strides = array<i32>} : memref<128x32xf32, #tpu.memory_space<vmem>>, vector<1x16xf32>,
        %get3A_211 = vector.shape_cast %get3A_210 : vector<1x16xf32> to vector<16xf32>
        %mul3A_212 = arith.constant 5.65685415 : f32
        %mul3A_213 = vector.broadcast %mul3A_212 : f32 to vector<16xf32>
        %mul3A_214 = arith.mulf %get3A_211, %mul3A_213 : vector<16xf32>
        %swap3A_215 = arith.index_cast %add3A_207 : i32 to index
        %swap3A_216 = arith.constant 0 : index
        %swap3A_217 = tpu.vector_load %arg6[%swap3A_215, %swap3A_216] {strides = array<i32>} : memref<128x32xf32, #tpu.memory_space<vmem>>, vector<1x16xf32>,
        %swap3A_218 = vector.shape_cast %swap3A_217 : vector<1x16xf32> to vector<16xf32>
        %swap3A_219 = vector.shape_cast %mul3A_214 : vector<16xf32> to vector<1x16xf32>
        tpu.vector_store %arg6[%swap3A_215, %swap3A_216], %swap3A_219 {strides = array<i32>} : memref<128x32xf32, #tpu.memory_space<vmem>>, vector<1x16xf32>,
        %get3A_220 = arith.index_cast %add3A_207 : i32 to index
        %get3A_221 = arith.constant 16 : index
        %get3A_222 = tpu.vector_load %arg6[%get3A_220, %get3A_221] {strides = array<i32>} : memref<128x32xf32, #tpu.memory_space<vmem>>, vector<1x16xf32>,
        %get3A_223 = vector.shape_cast %get3A_222 : vector<1x16xf32> to vector<16xf32>
        %mul3A_224 = arith.constant 5.65685415 : f32
        %mul3A_225 = vector.broadcast %mul3A_224 : f32 to vector<16xf32>
        %mul3A_226 = arith.mulf %get3A_223, %mul3A_225 : vector<16xf32>
        %swap3A_227 = arith.index_cast %add3A_207 : i32 to index
        %swap3A_228 = arith.constant 16 : index
        %swap3A_229 = tpu.vector_load %arg6[%swap3A_227, %swap3A_228] {strides = array<i32>} : memref<128x32xf32, #tpu.memory_space<vmem>>, vector<1x16xf32>,
        %swap3A_230 = vector.shape_cast %swap3A_229 : vector<1x16xf32> to vector<16xf32>
        %swap3A_231 = vector.shape_cast %mul3A_226 : vector<16xf32> to vector<1x16xf32>
        tpu.vector_store %arg6[%swap3A_227, %swap3A_228], %swap3A_231 {strides = array<i32>} : memref<128x32xf32, #tpu.memory_space<vmem>>, vector<1x16xf32>,
        %scan3A_232 = arith.constant 5 : i32
        %scan3A_233 = arith.addi %scan3A_85, %scan3A_232 : i32
        %mul3A_234 = arith.constant 1 : i32
        %mul3A_235 = arith.muli %scan3A_233, %mul3A_234 : i32
        %add3A_236 = arith.constant 0 : i32
        %add3A_237 = arith.addi %add3A_236, %mul3A_235 : i32
        %get3A_238 = arith.index_cast %add3A_237 : i32 to index
        %get3A_239 = arith.constant 0 : index
        %get3A_240 = tpu.vector_load %arg6[%get3A_238, %get3A_239] {strides = array<i32>} : memref<128x32xf32, #tpu.memory_space<vmem>>, vector<1x16xf32>,
        %get3A_241 = vector.shape_cast %get3A_240 : vector<1x16xf32> to vector<16xf32>
        %mul3A_242 = arith.constant 5.65685415 : f32
        %mul3A_243 = vector.broadcast %mul3A_242 : f32 to vector<16xf32>
        %mul3A_244 = arith.mulf %get3A_241, %mul3A_243 : vector<16xf32>
        %swap3A_245 = arith.index_cast %add3A_237 : i32 to index
        %swap3A_246 = arith.constant 0 : index
        %swap3A_247 = tpu.vector_load %arg6[%swap3A_245, %swap3A_246] {strides = array<i32>} : memref<128x32xf32, #tpu.memory_space<vmem>>, vector<1x16xf32>,
        %swap3A_248 = vector.shape_cast %swap3A_247 : vector<1x16xf32> to vector<16xf32>
        %swap3A_249 = vector.shape_cast %mul3A_244 : vector<16xf32> to vector<1x16xf32>
        tpu.vector_store %arg6[%swap3A_245, %swap3A_246], %swap3A_249 {strides = array<i32>} : memref<128x32xf32, #tpu.memory_space<vmem>>, vector<1x16xf32>,
        %get3A_250 = arith.index_cast %add3A_237 : i32 to index
        %get3A_251 = arith.constant 16 : index
        %get3A_252 = tpu.vector_load %arg6[%get3A_250, %get3A_251] {strides = array<i32>} : memref<128x32xf32, #tpu.memory_space<vmem>>, vector<1x16xf32>,
        %get3A_253 = vector.shape_cast %get3A_252 : vector<1x16xf32> to vector<16xf32>
        %mul3A_254 = arith.constant 5.65685415 : f32
        %mul3A_255 = vector.broadcast %mul3A_254 : f32 to vector<16xf32>
        %mul3A_256 = arith.mulf %get3A_253, %mul3A_255 : vector<16xf32>
        %swap3A_257 = arith.index_cast %add3A_237 : i32 to index
        %swap3A_258 = arith.constant 16 : index
        %swap3A_259 = tpu.vector_load %arg6[%swap3A_257, %swap3A_258] {strides = array<i32>} : memref<128x32xf32, #tpu.memory_space<vmem>>, vector<1x16xf32>,
        %swap3A_260 = vector.shape_cast %swap3A_259 : vector<1x16xf32> to vector<16xf32>
        %swap3A_261 = vector.shape_cast %mul3A_256 : vector<16xf32> to vector<1x16xf32>
        tpu.vector_store %arg6[%swap3A_257, %swap3A_258], %swap3A_261 {strides = array<i32>} : memref<128x32xf32, #tpu.memory_space<vmem>>, vector<1x16xf32>,
        %scan3A_262 = arith.constant 6 : i32
        %scan3A_263 = arith.addi %scan3A_85, %scan3A_262 : i32
        %mul3A_264 = arith.constant 1 : i32
        %mul3A_265 = arith.muli %scan3A_263, %mul3A_264 : i32
        %add3A_266 = arith.constant 0 : i32
        %add3A_267 = arith.addi %add3A_266, %mul3A_265 : i32
        %get3A_268 = arith.index_cast %add3A_267 : i32 to index
        %get3A_269 = arith.constant 0 : index
        %get3A_270 = tpu.vector_load %arg6[%get3A_268, %get3A_269] {strides = array<i32>} : memref<128x32xf32, #tpu.memory_space<vmem>>, vector<1x16xf32>,
        %get3A_271 = vector.shape_cast %get3A_270 : vector<1x16xf32> to vector<16xf32>
        %mul3A_272 = arith.constant 5.65685415 : f32
        %mul3A_273 = vector.broadcast %mul3A_272 : f32 to vector<16xf32>
        %mul3A_274 = arith.mulf %get3A_271, %mul3A_273 : vector<16xf32>
        %swap3A_275 = arith.index_cast %add3A_267 : i32 to index
        %swap3A_276 = arith.constant 0 : index
        %swap3A_277 = tpu.vector_load %arg6[%swap3A_275, %swap3A_276] {strides = array<i32>} : memref<128x32xf32, #tpu.memory_space<vmem>>, vector<1x16xf32>,
        %swap3A_278 = vector.shape_cast %swap3A_277 : vector<1x16xf32> to vector<16xf32>
        %swap3A_279 = vector.shape_cast %mul3A_274 : vector<16xf32> to vector<1x16xf32>
        tpu.vector_store %arg6[%swap3A_275, %swap3A_276], %swap3A_279 {strides = array<i32>} : memref<128x32xf32, #tpu.memory_space<vmem>>, vector<1x16xf32>,
        %get3A_280 = arith.index_cast %add3A_267 : i32 to index
        %get3A_281 = arith.constant 16 : index
        %get3A_282 = tpu.vector_load %arg6[%get3A_280, %get3A_281] {strides = array<i32>} : memref<128x32xf32, #tpu.memory_space<vmem>>, vector<1x16xf32>,
        %get3A_283 = vector.shape_cast %get3A_282 : vector<1x16xf32> to vector<16xf32>
        %mul3A_284 = arith.constant 5.65685415 : f32
        %mul3A_285 = vector.broadcast %mul3A_284 : f32 to vector<16xf32>
        %mul3A_286 = arith.mulf %get3A_283, %mul3A_285 : vector<16xf32>
        %swap3A_287 = arith.index_cast %add3A_267 : i32 to index
        %swap3A_288 = arith.constant 16 : index
        %swap3A_289 = tpu.vector_load %arg6[%swap3A_287, %swap3A_288] {strides = array<i32>} : memref<128x32xf32, #tpu.memory_space<vmem>>, vector<1x16xf32>,
        %swap3A_290 = vector.shape_cast %swap3A_289 : vector<1x16xf32> to vector<16xf32>
        %swap3A_291 = vector.shape_cast %mul3A_286 : vector<16xf32> to vector<1x16xf32>
        tpu.vector_store %arg6[%swap3A_287, %swap3A_288], %swap3A_291 {strides = array<i32>} : memref<128x32xf32, #tpu.memory_space<vmem>>, vector<1x16xf32>,
        %scan3A_292 = arith.constant 7 : i32
        %scan3A_293 = arith.addi %scan3A_85, %scan3A_292 : i32
        %mul3A_294 = arith.constant 1 : i32
        %mul3A_295 = arith.muli %scan3A_293, %mul3A_294 : i32
        %add3A_296 = arith.constant 0 : i32
        %add3A_297 = arith.addi %add3A_296, %mul3A_295 : i32
        %get3A_298 = arith.index_cast %add3A_297 : i32 to index
        %get3A_299 = arith.constant 0 : index
        %get3A_300 = tpu.vector_load %arg6[%get3A_298, %get3A_299] {strides = array<i32>} : memref<128x32xf32, #tpu.memory_space<vmem>>, vector<1x16xf32>,
        %get3A_301 = vector.shape_cast %get3A_300 : vector<1x16xf32> to vector<16xf32>
        %mul3A_302 = arith.constant 5.65685415 : f32
        %mul3A_303 = vector.broadcast %mul3A_302 : f32 to vector<16xf32>
        %mul3A_304 = arith.mulf %get3A_301, %mul3A_303 : vector<16xf32>
        %swap3A_305 = arith.index_cast %add3A_297 : i32 to index
        %swap3A_306 = arith.constant 0 : index
        %swap3A_307 = tpu.vector_load %arg6[%swap3A_305, %swap3A_306] {strides = array<i32>} : memref<128x32xf32, #tpu.memory_space<vmem>>, vector<1x16xf32>,
        %swap3A_308 = vector.shape_cast %swap3A_307 : vector<1x16xf32> to vector<16xf32>
        %swap3A_309 = vector.shape_cast %mul3A_304 : vector<16xf32> to vector<1x16xf32>
        tpu.vector_store %arg6[%swap3A_305, %swap3A_306], %swap3A_309 {strides = array<i32>} : memref<128x32xf32, #tpu.memory_space<vmem>>, vector<1x16xf32>,
        %get3A_310 = arith.index_cast %add3A_297 : i32 to index
        %get3A_311 = arith.constant 16 : index
        %get3A_312 = tpu.vector_load %arg6[%get3A_310, %get3A_311] {strides = array<i32>} : memref<128x32xf32, #tpu.memory_space<vmem>>, vector<1x16xf32>,
        %get3A_313 = vector.shape_cast %get3A_312 : vector<1x16xf32> to vector<16xf32>
        %mul3A_314 = arith.constant 5.65685415 : f32
        %mul3A_315 = vector.broadcast %mul3A_314 : f32 to vector<16xf32>
        %mul3A_316 = arith.mulf %get3A_313, %mul3A_315 : vector<16xf32>
        %swap3A_317 = arith.index_cast %add3A_297 : i32 to index
        %swap3A_318 = arith.constant 16 : index
        %swap3A_319 = tpu.vector_load %arg6[%swap3A_317, %swap3A_318] {strides = array<i32>} : memref<128x32xf32, #tpu.memory_space<vmem>>, vector<1x16xf32>,
        %swap3A_320 = vector.shape_cast %swap3A_319 : vector<1x16xf32> to vector<16xf32>
        %swap3A_321 = vector.shape_cast %mul3A_316 : vector<16xf32> to vector<1x16xf32>
        tpu.vector_store %arg6[%swap3A_317, %swap3A_318], %swap3A_321 {strides = array<i32>} : memref<128x32xf32, #tpu.memory_space<vmem>>, vector<1x16xf32>,
      }
      %scan3A_37 = arith.constant 128 : i32
      %mul3A_38 = arith.constant 128 : i32
      %mul3A_39 = arith.muli %add3A_26, %mul3A_38 : i32
      %add3A_40 = arith.addi %mul3A_2, %mul3A_39 : i32
      %dma_start3A_41 = arith.constant 0 : i32
      %dma_start3A_42 = tpu.memref_slice %arg4[%add3A_40, %dma_start3A_41] : memref<327680x32xf32, #tpu.memory_space<hbm>> -> memref<128x32xf32, #tpu.memory_space<hbm>>
      %dma_start3A_43 = arith.constant 0 : i32
      %dma_start3A_44 = tpu.memref_slice %arg4[%add3A_40, %dma_start3A_43] : memref<327680x32xf32, #tpu.memory_space<hbm>> -> memref<128x32xf32, #tpu.memory_space<hbm>>
      tpu.enqueue_dma source(%arg6 : memref<128x32xf32, #tpu.memory_space<vmem>>) target(%dma_start3A_44 : memref<128x32xf32, #tpu.memory_space<hbm>>) target_semaphore(%arg10 : memref<!tpu.dma_semaphore, #tpu.memory_space<semaphore_mem>>)
      %dma_wait3A_45 = arith.constant 0 : i32
      %dma_wait3A_46 = tpu.memref_slice %arg4[%add3A_40, %dma_wait3A_45] : memref<327680x32xf32, #tpu.memory_space<hbm>> -> memref<128x32xf32, #tpu.memory_space<hbm>>
      %dma_wait3A_47 = arith.constant 0 : i32
      %dma_wait3A_48 = tpu.memref_slice %arg4[%add3A_40, %dma_wait3A_47] : memref<327680x32xf32, #tpu.memory_space<hbm>> -> memref<128x32xf32, #tpu.memory_space<hbm>>
      tpu.wait_dma2 semaphore(%arg10 : memref<!tpu.dma_semaphore, #tpu.memory_space<semaphore_mem>>) src(%arg6 : memref<128x32xf32, #tpu.memory_space<vmem>>) dst(%dma_wait3A_48 : memref<128x32xf32, #tpu.memory_space<hbm>>)
      %add3A_49 = arith.constant 2 : i32
      %add3A_50 = arith.addi %add3A_26, %add3A_49 : i32
      %lt3A = arith.constant 80 : i32
      %lt3A_51 = arith.cmpi slt, %add3A_50, %lt3A : i32
      %convert_element_type3A = arith.extui %lt3A_51 : i1 to i32
      %cond3A = arith.constant 0 : i32
      %cond3A_52 = arith.cmpi ne, %convert_element_type3A, %cond3A : i32
      scf.if %cond3A_52 {
        %add3A_85 = arith.constant 2 : i32
        %add3A_86 = arith.addi %add3A_26, %add3A_85 : i32
        %dma_start3A_87 = arith.constant 0 : i32
        %dma_start3A_88 = tpu.memref_slice %arg5[%add3A_86, %dma_start3A_87] : memref<80x128xi32, #tpu.memory_space<vmem>> -> memref<1x128xi32, #tpu.memory_space<vmem>>
        %dma_start3A_89 = tpu.memref_squeeze %dma_start3A_88 : memref<1x128xi32, #tpu.memory_space<vmem>> -> memref<128xi32, #tpu.memory_space<vmem>>
        %dma_start3A_90 = arith.constant 0 : i32
        %dma_start3A_91 = arith.constant 0 : i32
        %dma_start3A_92 = tpu.memref_slice %arg3[%dma_start3A_90, %dma_start3A_91] : memref<1000000x32xf32, #tpu.memory_space<hbm>> -> memref<1000000x32xf32, #tpu.memory_space<hbm>>
        tpu.enqueue_indirect_dma source(%dma_start3A_92 : memref<1000000x32xf32, #tpu.memory_space<hbm>>) target(%arg6 : memref<128x32xf32, #tpu.memory_space<vmem>>) offsets(%dma_start3A_89 : memref<128xi32, #tpu.memory_space<vmem>>) semaphore(%arg8 : memref<!tpu.dma_semaphore, #tpu.memory_space<semaphore_mem>>)
      } else {
      }
      %add3A_53 = arith.constant 1 : i32
      %add3A_54 = arith.addi %add3A_24, %add3A_53 : i32
      %dma_wait3A_55 = arith.constant 1 : i32
      %dma_wait3A_56 = arith.constant 0 : i32
      %dma_wait3A_57 = tpu.memref_slice %arg5[%dma_wait3A_55, %dma_wait3A_56] : memref<80x128xi32, #tpu.memory_space<vmem>> -> memref<1x128xi32, #tpu.memory_space<vmem>>
      %dma_wait3A_58 = tpu.memref_squeeze %dma_wait3A_57 : memref<1x128xi32, #tpu.memory_space<vmem>> -> memref<128xi32, #tpu.memory_space<vmem>>
      %dma_wait3A_59 = arith.constant 0 : i32
      %dma_wait3A_60 = arith.constant 0 : i32
      %dma_wait3A_61 = tpu.memref_slice %arg3[%dma_wait3A_59, %dma_wait3A_60] : memref<1000000x32xf32, #tpu.memory_space<hbm>> -> memref<1000000x32xf32, #tpu.memory_space<hbm>>
      tpu.wait_indirect_dma semaphore(%arg9 : memref<!tpu.dma_semaphore, #tpu.memory_space<semaphore_mem>>) src(%dma_wait3A_61 : memref<1000000x32xf32, #tpu.memory_space<hbm>>) dst(%arg7 : memref<128x32xf32, #tpu.memory_space<vmem>>)
      %scan3A_62 = arith.constant 0 : i32
      %scan3A_63 = arith.constant 128 : i32
      %scan3A_64 = arith.addi %scan3A_62, %scan3A_63 : i32
      %scan3A_65 = arith.constant 8 : i32
      scf.for %scan3A_85 = %scan3A_62 to %scan3A_64 step %scan3A_65  : i32 {
        %mul3A_86 = arith.constant 1 : i32
        %mul3A_87 = arith.muli %scan3A_85, %mul3A_86 : i32
        %add3A_88 = arith.constant 0 : i32
        %add3A_89 = arith.addi %add3A_88, %mul3A_87 : i32
        %get3A = arith.index_cast %add3A_89 : i32 to index
        %get3A_90 = arith.constant 0 : index
        %get3A_91 = tpu.vector_load %arg7[%get3A, %get3A_90] {strides = array<i32>} : memref<128x32xf32, #tpu.memory_space<vmem>>, vector<1x16xf32>,
        %get3A_92 = vector.shape_cast %get3A_91 : vector<1x16xf32> to vector<16xf32>
        %mul3A_93 = arith.constant 5.65685415 : f32
        %mul3A_94 = vector.broadcast %mul3A_93 : f32 to vector<16xf32>
        %mul3A_95 = arith.mulf %get3A_92, %mul3A_94 : vector<16xf32>
        %swap3A = arith.index_cast %add3A_89 : i32 to index
        %swap3A_96 = arith.constant 0 : index
        %swap3A_97 = tpu.vector_load %arg7[%swap3A, %swap3A_96] {strides = array<i32>} : memref<128x32xf32, #tpu.memory_space<vmem>>, vector<1x16xf32>,
        %swap3A_98 = vector.shape_cast %swap3A_97 : vector<1x16xf32> to vector<16xf32>
        %swap3A_99 = vector.shape_cast %mul3A_95 : vector<16xf32> to vector<1x16xf32>
        tpu.vector_store %arg7[%swap3A, %swap3A_96], %swap3A_99 {strides = array<i32>} : memref<128x32xf32, #tpu.memory_space<vmem>>, vector<1x16xf32>,
        %get3A_100 = arith.index_cast %add3A_89 : i32 to index
        %get3A_101 = arith.constant 16 : index
        %get3A_102 = tpu.vector_load %arg7[%get3A_100, %get3A_101] {strides = array<i32>} : memref<128x32xf32, #tpu.memory_space<vmem>>, vector<1x16xf32>,
        %get3A_103 = vector.shape_cast %get3A_102 : vector<1x16xf32> to vector<16xf32>
        %mul3A_104 = arith.constant 5.65685415 : f32
        %mul3A_105 = vector.broadcast %mul3A_104 : f32 to vector<16xf32>
        %mul3A_106 = arith.mulf %get3A_103, %mul3A_105 : vector<16xf32>
        %swap3A_107 = arith.index_cast %add3A_89 : i32 to index
        %swap3A_108 = arith.constant 16 : index
        %swap3A_109 = tpu.vector_load %arg7[%swap3A_107, %swap3A_108] {strides = array<i32>} : memref<128x32xf32, #tpu.memory_space<vmem>>, vector<1x16xf32>,
        %swap3A_110 = vector.shape_cast %swap3A_109 : vector<1x16xf32> to vector<16xf32>
        %swap3A_111 = vector.shape_cast %mul3A_106 : vector<16xf32> to vector<1x16xf32>
        tpu.vector_store %arg7[%swap3A_107, %swap3A_108], %swap3A_111 {strides = array<i32>} : memref<128x32xf32, #tpu.memory_space<vmem>>, vector<1x16xf32>,
        %scan3A_112 = arith.constant 1 : i32
        %scan3A_113 = arith.addi %scan3A_85, %scan3A_112 : i32
        %mul3A_114 = arith.constant 1 : i32
        %mul3A_115 = arith.muli %scan3A_113, %mul3A_114 : i32
        %add3A_116 = arith.constant 0 : i32
        %add3A_117 = arith.addi %add3A_116, %mul3A_115 : i32
        %get3A_118 = arith.index_cast %add3A_117 : i32 to index
        %get3A_119 = arith.constant 0 : index
        %get3A_120 = tpu.vector_load %arg7[%get3A_118, %get3A_119] {strides = array<i32>} : memref<128x32xf32, #tpu.memory_space<vmem>>, vector<1x16xf32>,
        %get3A_121 = vector.shape_cast %get3A_120 : vector<1x16xf32> to vector<16xf32>
        %mul3A_122 = arith.constant 5.65685415 : f32
        %mul3A_123 = vector.broadcast %mul3A_122 : f32 to vector<16xf32>
        %mul3A_124 = arith.mulf %get3A_121, %mul3A_123 : vector<16xf32>
        %swap3A_125 = arith.index_cast %add3A_117 : i32 to index
        %swap3A_126 = arith.constant 0 : index
        %swap3A_127 = tpu.vector_load %arg7[%swap3A_125, %swap3A_126] {strides = array<i32>} : memref<128x32xf32, #tpu.memory_space<vmem>>, vector<1x16xf32>,
        %swap3A_128 = vector.shape_cast %swap3A_127 : vector<1x16xf32> to vector<16xf32>
        %swap3A_129 = vector.shape_cast %mul3A_124 : vector<16xf32> to vector<1x16xf32>
        tpu.vector_store %arg7[%swap3A_125, %swap3A_126], %swap3A_129 {strides = array<i32>} : memref<128x32xf32, #tpu.memory_space<vmem>>, vector<1x16xf32>,
        %get3A_130 = arith.index_cast %add3A_117 : i32 to index
        %get3A_131 = arith.constant 16 : index
        %get3A_132 = tpu.vector_load %arg7[%get3A_130, %get3A_131] {strides = array<i32>} : memref<128x32xf32, #tpu.memory_space<vmem>>, vector<1x16xf32>,
        %get3A_133 = vector.shape_cast %get3A_132 : vector<1x16xf32> to vector<16xf32>
        %mul3A_134 = arith.constant 5.65685415 : f32
        %mul3A_135 = vector.broadcast %mul3A_134 : f32 to vector<16xf32>
        %mul3A_136 = arith.mulf %get3A_133, %mul3A_135 : vector<16xf32>
        %swap3A_137 = arith.index_cast %add3A_117 : i32 to index
        %swap3A_138 = arith.constant 16 : index
        %swap3A_139 = tpu.vector_load %arg7[%swap3A_137, %swap3A_138] {strides = array<i32>} : memref<128x32xf32, #tpu.memory_space<vmem>>, vector<1x16xf32>,
        %swap3A_140 = vector.shape_cast %swap3A_139 : vector<1x16xf32> to vector<16xf32>
        %swap3A_141 = vector.shape_cast %mul3A_136 : vector<16xf32> to vector<1x16xf32>
        tpu.vector_store %arg7[%swap3A_137, %swap3A_138], %swap3A_141 {strides = array<i32>} : memref<128x32xf32, #tpu.memory_space<vmem>>, vector<1x16xf32>,
        %scan3A_142 = arith.constant 2 : i32
        %scan3A_143 = arith.addi %scan3A_85, %scan3A_142 : i32
        %mul3A_144 = arith.constant 1 : i32
        %mul3A_145 = arith.muli %scan3A_143, %mul3A_144 : i32
        %add3A_146 = arith.constant 0 : i32
        %add3A_147 = arith.addi %add3A_146, %mul3A_145 : i32
        %get3A_148 = arith.index_cast %add3A_147 : i32 to index
        %get3A_149 = arith.constant 0 : index
        %get3A_150 = tpu.vector_load %arg7[%get3A_148, %get3A_149] {strides = array<i32>} : memref<128x32xf32, #tpu.memory_space<vmem>>, vector<1x16xf32>,
        %get3A_151 = vector.shape_cast %get3A_150 : vector<1x16xf32> to vector<16xf32>
        %mul3A_152 = arith.constant 5.65685415 : f32
        %mul3A_153 = vector.broadcast %mul3A_152 : f32 to vector<16xf32>
        %mul3A_154 = arith.mulf %get3A_151, %mul3A_153 : vector<16xf32>
        %swap3A_155 = arith.index_cast %add3A_147 : i32 to index
        %swap3A_156 = arith.constant 0 : index
        %swap3A_157 = tpu.vector_load %arg7[%swap3A_155, %swap3A_156] {strides = array<i32>} : memref<128x32xf32, #tpu.memory_space<vmem>>, vector<1x16xf32>,
        %swap3A_158 = vector.shape_cast %swap3A_157 : vector<1x16xf32> to vector<16xf32>
        %swap3A_159 = vector.shape_cast %mul3A_154 : vector<16xf32> to vector<1x16xf32>
        tpu.vector_store %arg7[%swap3A_155, %swap3A_156], %swap3A_159 {strides = array<i32>} : memref<128x32xf32, #tpu.memory_space<vmem>>, vector<1x16xf32>,
        %get3A_160 = arith.index_cast %add3A_147 : i32 to index
        %get3A_161 = arith.constant 16 : index
        %get3A_162 = tpu.vector_load %arg7[%get3A_160, %get3A_161] {strides = array<i32>} : memref<128x32xf32, #tpu.memory_space<vmem>>, vector<1x16xf32>,
        %get3A_163 = vector.shape_cast %get3A_162 : vector<1x16xf32> to vector<16xf32>
        %mul3A_164 = arith.constant 5.65685415 : f32
        %mul3A_165 = vector.broadcast %mul3A_164 : f32 to vector<16xf32>
        %mul3A_166 = arith.mulf %get3A_163, %mul3A_165 : vector<16xf32>
        %swap3A_167 = arith.index_cast %add3A_147 : i32 to index
        %swap3A_168 = arith.constant 16 : index
        %swap3A_169 = tpu.vector_load %arg7[%swap3A_167, %swap3A_168] {strides = array<i32>} : memref<128x32xf32, #tpu.memory_space<vmem>>, vector<1x16xf32>,
        %swap3A_170 = vector.shape_cast %swap3A_169 : vector<1x16xf32> to vector<16xf32>
        %swap3A_171 = vector.shape_cast %mul3A_166 : vector<16xf32> to vector<1x16xf32>
        tpu.vector_store %arg7[%swap3A_167, %swap3A_168], %swap3A_171 {strides = array<i32>} : memref<128x32xf32, #tpu.memory_space<vmem>>, vector<1x16xf32>,
        %scan3A_172 = arith.constant 3 : i32
        %scan3A_173 = arith.addi %scan3A_85, %scan3A_172 : i32
        %mul3A_174 = arith.constant 1 : i32
        %mul3A_175 = arith.muli %scan3A_173, %mul3A_174 : i32
        %add3A_176 = arith.constant 0 : i32
        %add3A_177 = arith.addi %add3A_176, %mul3A_175 : i32
        %get3A_178 = arith.index_cast %add3A_177 : i32 to index
        %get3A_179 = arith.constant 0 : index
        %get3A_180 = tpu.vector_load %arg7[%get3A_178, %get3A_179] {strides = array<i32>} : memref<128x32xf32, #tpu.memory_space<vmem>>, vector<1x16xf32>,
        %get3A_181 = vector.shape_cast %get3A_180 : vector<1x16xf32> to vector<16xf32>
        %mul3A_182 = arith.constant 5.65685415 : f32
        %mul3A_183 = vector.broadcast %mul3A_182 : f32 to vector<16xf32>
        %mul3A_184 = arith.mulf %get3A_181, %mul3A_183 : vector<16xf32>
        %swap3A_185 = arith.index_cast %add3A_177 : i32 to index
        %swap3A_186 = arith.constant 0 : index
        %swap3A_187 = tpu.vector_load %arg7[%swap3A_185, %swap3A_186] {strides = array<i32>} : memref<128x32xf32, #tpu.memory_space<vmem>>, vector<1x16xf32>,
        %swap3A_188 = vector.shape_cast %swap3A_187 : vector<1x16xf32> to vector<16xf32>
        %swap3A_189 = vector.shape_cast %mul3A_184 : vector<16xf32> to vector<1x16xf32>
        tpu.vector_store %arg7[%swap3A_185, %swap3A_186], %swap3A_189 {strides = array<i32>} : memref<128x32xf32, #tpu.memory_space<vmem>>, vector<1x16xf32>,
        %get3A_190 = arith.index_cast %add3A_177 : i32 to index
        %get3A_191 = arith.constant 16 : index
        %get3A_192 = tpu.vector_load %arg7[%get3A_190, %get3A_191] {strides = array<i32>} : memref<128x32xf32, #tpu.memory_space<vmem>>, vector<1x16xf32>,
        %get3A_193 = vector.shape_cast %get3A_192 : vector<1x16xf32> to vector<16xf32>
        %mul3A_194 = arith.constant 5.65685415 : f32
        %mul3A_195 = vector.broadcast %mul3A_194 : f32 to vector<16xf32>
        %mul3A_196 = arith.mulf %get3A_193, %mul3A_195 : vector<16xf32>
        %swap3A_197 = arith.index_cast %add3A_177 : i32 to index
        %swap3A_198 = arith.constant 16 : index
        %swap3A_199 = tpu.vector_load %arg7[%swap3A_197, %swap3A_198] {strides = array<i32>} : memref<128x32xf32, #tpu.memory_space<vmem>>, vector<1x16xf32>,
        %swap3A_200 = vector.shape_cast %swap3A_199 : vector<1x16xf32> to vector<16xf32>
        %swap3A_201 = vector.shape_cast %mul3A_196 : vector<16xf32> to vector<1x16xf32>
        tpu.vector_store %arg7[%swap3A_197, %swap3A_198], %swap3A_201 {strides = array<i32>} : memref<128x32xf32, #tpu.memory_space<vmem>>, vector<1x16xf32>,
        %scan3A_202 = arith.constant 4 : i32
        %scan3A_203 = arith.addi %scan3A_85, %scan3A_202 : i32
        %mul3A_204 = arith.constant 1 : i32
        %mul3A_205 = arith.muli %scan3A_203, %mul3A_204 : i32
        %add3A_206 = arith.constant 0 : i32
        %add3A_207 = arith.addi %add3A_206, %mul3A_205 : i32
        %get3A_208 = arith.index_cast %add3A_207 : i32 to index
        %get3A_209 = arith.constant 0 : index
        %get3A_210 = tpu.vector_load %arg7[%get3A_208, %get3A_209] {strides = array<i32>} : memref<128x32xf32, #tpu.memory_space<vmem>>, vector<1x16xf32>,
        %get3A_211 = vector.shape_cast %get3A_210 : vector<1x16xf32> to vector<16xf32>
        %mul3A_212 = arith.constant 5.65685415 : f32
        %mul3A_213 = vector.broadcast %mul3A_212 : f32 to vector<16xf32>
        %mul3A_214 = arith.mulf %get3A_211, %mul3A_213 : vector<16xf32>
        %swap3A_215 = arith.index_cast %add3A_207 : i32 to index
        %swap3A_216 = arith.constant 0 : index
        %swap3A_217 = tpu.vector_load %arg7[%swap3A_215, %swap3A_216] {strides = array<i32>} : memref<128x32xf32, #tpu.memory_space<vmem>>, vector<1x16xf32>,
        %swap3A_218 = vector.shape_cast %swap3A_217 : vector<1x16xf32> to vector<16xf32>
        %swap3A_219 = vector.shape_cast %mul3A_214 : vector<16xf32> to vector<1x16xf32>
        tpu.vector_store %arg7[%swap3A_215, %swap3A_216], %swap3A_219 {strides = array<i32>} : memref<128x32xf32, #tpu.memory_space<vmem>>, vector<1x16xf32>,
        %get3A_220 = arith.index_cast %add3A_207 : i32 to index
        %get3A_221 = arith.constant 16 : index
        %get3A_222 = tpu.vector_load %arg7[%get3A_220, %get3A_221] {strides = array<i32>} : memref<128x32xf32, #tpu.memory_space<vmem>>, vector<1x16xf32>,
        %get3A_223 = vector.shape_cast %get3A_222 : vector<1x16xf32> to vector<16xf32>
        %mul3A_224 = arith.constant 5.65685415 : f32
        %mul3A_225 = vector.broadcast %mul3A_224 : f32 to vector<16xf32>
        %mul3A_226 = arith.mulf %get3A_223, %mul3A_225 : vector<16xf32>
        %swap3A_227 = arith.index_cast %add3A_207 : i32 to index
        %swap3A_228 = arith.constant 16 : index
        %swap3A_229 = tpu.vector_load %arg7[%swap3A_227, %swap3A_228] {strides = array<i32>} : memref<128x32xf32, #tpu.memory_space<vmem>>, vector<1x16xf32>,
        %swap3A_230 = vector.shape_cast %swap3A_229 : vector<1x16xf32> to vector<16xf32>
        %swap3A_231 = vector.shape_cast %mul3A_226 : vector<16xf32> to vector<1x16xf32>
        tpu.vector_store %arg7[%swap3A_227, %swap3A_228], %swap3A_231 {strides = array<i32>} : memref<128x32xf32, #tpu.memory_space<vmem>>, vector<1x16xf32>,
        %scan3A_232 = arith.constant 5 : i32
        %scan3A_233 = arith.addi %scan3A_85, %scan3A_232 : i32
        %mul3A_234 = arith.constant 1 : i32
        %mul3A_235 = arith.muli %scan3A_233, %mul3A_234 : i32
        %add3A_236 = arith.constant 0 : i32
        %add3A_237 = arith.addi %add3A_236, %mul3A_235 : i32
        %get3A_238 = arith.index_cast %add3A_237 : i32 to index
        %get3A_239 = arith.constant 0 : index
        %get3A_240 = tpu.vector_load %arg7[%get3A_238, %get3A_239] {strides = array<i32>} : memref<128x32xf32, #tpu.memory_space<vmem>>, vector<1x16xf32>,
        %get3A_241 = vector.shape_cast %get3A_240 : vector<1x16xf32> to vector<16xf32>
        %mul3A_242 = arith.constant 5.65685415 : f32
        %mul3A_243 = vector.broadcast %mul3A_242 : f32 to vector<16xf32>
        %mul3A_244 = arith.mulf %get3A_241, %mul3A_243 : vector<16xf32>
        %swap3A_245 = arith.index_cast %add3A_237 : i32 to index
        %swap3A_246 = arith.constant 0 : index
        %swap3A_247 = tpu.vector_load %arg7[%swap3A_245, %swap3A_246] {strides = array<i32>} : memref<128x32xf32, #tpu.memory_space<vmem>>, vector<1x16xf32>,
        %swap3A_248 = vector.shape_cast %swap3A_247 : vector<1x16xf32> to vector<16xf32>
        %swap3A_249 = vector.shape_cast %mul3A_244 : vector<16xf32> to vector<1x16xf32>
        tpu.vector_store %arg7[%swap3A_245, %swap3A_246], %swap3A_249 {strides = array<i32>} : memref<128x32xf32, #tpu.memory_space<vmem>>, vector<1x16xf32>,
        %get3A_250 = arith.index_cast %add3A_237 : i32 to index
        %get3A_251 = arith.constant 16 : index
        %get3A_252 = tpu.vector_load %arg7[%get3A_250, %get3A_251] {strides = array<i32>} : memref<128x32xf32, #tpu.memory_space<vmem>>, vector<1x16xf32>,
        %get3A_253 = vector.shape_cast %get3A_252 : vector<1x16xf32> to vector<16xf32>
        %mul3A_254 = arith.constant 5.65685415 : f32
        %mul3A_255 = vector.broadcast %mul3A_254 : f32 to vector<16xf32>
        %mul3A_256 = arith.mulf %get3A_253, %mul3A_255 : vector<16xf32>
        %swap3A_257 = arith.index_cast %add3A_237 : i32 to index
        %swap3A_258 = arith.constant 16 : index
        %swap3A_259 = tpu.vector_load %arg7[%swap3A_257, %swap3A_258] {strides = array<i32>} : memref<128x32xf32, #tpu.memory_space<vmem>>, vector<1x16xf32>,
        %swap3A_260 = vector.shape_cast %swap3A_259 : vector<1x16xf32> to vector<16xf32>
        %swap3A_261 = vector.shape_cast %mul3A_256 : vector<16xf32> to vector<1x16xf32>
        tpu.vector_store %arg7[%swap3A_257, %swap3A_258], %swap3A_261 {strides = array<i32>} : memref<128x32xf32, #tpu.memory_space<vmem>>, vector<1x16xf32>,
        %scan3A_262 = arith.constant 6 : i32
        %scan3A_263 = arith.addi %scan3A_85, %scan3A_262 : i32
        %mul3A_264 = arith.constant 1 : i32
        %mul3A_265 = arith.muli %scan3A_263, %mul3A_264 : i32
        %add3A_266 = arith.constant 0 : i32
        %add3A_267 = arith.addi %add3A_266, %mul3A_265 : i32
        %get3A_268 = arith.index_cast %add3A_267 : i32 to index
        %get3A_269 = arith.constant 0 : index
        %get3A_270 = tpu.vector_load %arg7[%get3A_268, %get3A_269] {strides = array<i32>} : memref<128x32xf32, #tpu.memory_space<vmem>>, vector<1x16xf32>,
        %get3A_271 = vector.shape_cast %get3A_270 : vector<1x16xf32> to vector<16xf32>
        %mul3A_272 = arith.constant 5.65685415 : f32
        %mul3A_273 = vector.broadcast %mul3A_272 : f32 to vector<16xf32>
        %mul3A_274 = arith.mulf %get3A_271, %mul3A_273 : vector<16xf32>
        %swap3A_275 = arith.index_cast %add3A_267 : i32 to index
        %swap3A_276 = arith.constant 0 : index
        %swap3A_277 = tpu.vector_load %arg7[%swap3A_275, %swap3A_276] {strides = array<i32>} : memref<128x32xf32, #tpu.memory_space<vmem>>, vector<1x16xf32>,
        %swap3A_278 = vector.shape_cast %swap3A_277 : vector<1x16xf32> to vector<16xf32>
        %swap3A_279 = vector.shape_cast %mul3A_274 : vector<16xf32> to vector<1x16xf32>
        tpu.vector_store %arg7[%swap3A_275, %swap3A_276], %swap3A_279 {strides = array<i32>} : memref<128x32xf32, #tpu.memory_space<vmem>>, vector<1x16xf32>,
        %get3A_280 = arith.index_cast %add3A_267 : i32 to index
        %get3A_281 = arith.constant 16 : index
        %get3A_282 = tpu.vector_load %arg7[%get3A_280, %get3A_281] {strides = array<i32>} : memref<128x32xf32, #tpu.memory_space<vmem>>, vector<1x16xf32>,
        %get3A_283 = vector.shape_cast %get3A_282 : vector<1x16xf32> to vector<16xf32>
        %mul3A_284 = arith.constant 5.65685415 : f32
        %mul3A_285 = vector.broadcast %mul3A_284 : f32 to vector<16xf32>
        %mul3A_286 = arith.mulf %get3A_283, %mul3A_285 : vector<16xf32>
        %swap3A_287 = arith.index_cast %add3A_267 : i32 to index
        %swap3A_288 = arith.constant 16 : index
        %swap3A_289 = tpu.vector_load %arg7[%swap3A_287, %swap3A_288] {strides = array<i32>} : memref<128x32xf32, #tpu.memory_space<vmem>>, vector<1x16xf32>,
        %swap3A_290 = vector.shape_cast %swap3A_289 : vector<1x16xf32> to vector<16xf32>
        %swap3A_291 = vector.shape_cast %mul3A_286 : vector<16xf32> to vector<1x16xf32>
        tpu.vector_store %arg7[%swap3A_287, %swap3A_288], %swap3A_291 {strides = array<i32>} : memref<128x32xf32, #tpu.memory_space<vmem>>, vector<1x16xf32>,
        %scan3A_292 = arith.constant 7 : i32
        %scan3A_293 = arith.addi %scan3A_85, %scan3A_292 : i32
        %mul3A_294 = arith.constant 1 : i32
        %mul3A_295 = arith.muli %scan3A_293, %mul3A_294 : i32
        %add3A_296 = arith.constant 0 : i32
        %add3A_297 = arith.addi %add3A_296, %mul3A_295 : i32
        %get3A_298 = arith.index_cast %add3A_297 : i32 to index
        %get3A_299 = arith.constant 0 : index
        %get3A_300 = tpu.vector_load %arg7[%get3A_298, %get3A_299] {strides = array<i32>} : memref<128x32xf32, #tpu.memory_space<vmem>>, vector<1x16xf32>,
        %get3A_301 = vector.shape_cast %get3A_300 : vector<1x16xf32> to vector<16xf32>
        %mul3A_302 = arith.constant 5.65685415 : f32
        %mul3A_303 = vector.broadcast %mul3A_302 : f32 to vector<16xf32>
        %mul3A_304 = arith.mulf %get3A_301, %mul3A_303 : vector<16xf32>
        %swap3A_305 = arith.index_cast %add3A_297 : i32 to index
        %swap3A_306 = arith.constant 0 : index
        %swap3A_307 = tpu.vector_load %arg7[%swap3A_305, %swap3A_306] {strides = array<i32>} : memref<128x32xf32, #tpu.memory_space<vmem>>, vector<1x16xf32>,
        %swap3A_308 = vector.shape_cast %swap3A_307 : vector<1x16xf32> to vector<16xf32>
        %swap3A_309 = vector.shape_cast %mul3A_304 : vector<16xf32> to vector<1x16xf32>
        tpu.vector_store %arg7[%swap3A_305, %swap3A_306], %swap3A_309 {strides = array<i32>} : memref<128x32xf32, #tpu.memory_space<vmem>>, vector<1x16xf32>,
        %get3A_310 = arith.index_cast %add3A_297 : i32 to index
        %get3A_311 = arith.constant 16 : index
        %get3A_312 = tpu.vector_load %arg7[%get3A_310, %get3A_311] {strides = array<i32>} : memref<128x32xf32, #tpu.memory_space<vmem>>, vector<1x16xf32>,
        %get3A_313 = vector.shape_cast %get3A_312 : vector<1x16xf32> to vector<16xf32>
        %mul3A_314 = arith.constant 5.65685415 : f32
        %mul3A_315 = vector.broadcast %mul3A_314 : f32 to vector<16xf32>
        %mul3A_316 = arith.mulf %get3A_313, %mul3A_315 : vector<16xf32>
        %swap3A_317 = arith.index_cast %add3A_297 : i32 to index
        %swap3A_318 = arith.constant 16 : index
        %swap3A_319 = tpu.vector_load %arg7[%swap3A_317, %swap3A_318] {strides = array<i32>} : memref<128x32xf32, #tpu.memory_space<vmem>>, vector<1x16xf32>,
        %swap3A_320 = vector.shape_cast %swap3A_319 : vector<1x16xf32> to vector<16xf32>
        %swap3A_321 = vector.shape_cast %mul3A_316 : vector<16xf32> to vector<1x16xf32>
        tpu.vector_store %arg7[%swap3A_317, %swap3A_318], %swap3A_321 {strides = array<i32>} : memref<128x32xf32, #tpu.memory_space<vmem>>, vector<1x16xf32>,
      }
      %scan3A_66 = arith.constant 128 : i32
      %mul3A_67 = arith.constant 128 : i32
      %mul3A_68 = arith.muli %add3A_54, %mul3A_67 : i32
      %add3A_69 = arith.addi %mul3A_2, %mul3A_68 : i32
      %dma_start3A_70 = arith.constant 0 : i32
      %dma_start3A_71 = tpu.memref_slice %arg4[%add3A_69, %dma_start3A_70] : memref<327680x32xf32, #tpu.memory_space<hbm>> -> memref<128x32xf32, #tpu.memory_space<hbm>>
      %dma_start3A_72 = arith.constant 0 : i32
      %dma_start3A_73 = tpu.memref_slice %arg4[%add3A_69, %dma_start3A_72] : memref<327680x32xf32, #tpu.memory_space<hbm>> -> memref<128x32xf32, #tpu.memory_space<hbm>>
      tpu.enqueue_dma source(%arg7 : memref<128x32xf32, #tpu.memory_space<vmem>>) target(%dma_start3A_73 : memref<128x32xf32, #tpu.memory_space<hbm>>) target_semaphore(%arg11 : memref<!tpu.dma_semaphore, #tpu.memory_space<semaphore_mem>>)
      %dma_wait3A_74 = arith.constant 0 : i32
      %dma_wait3A_75 = tpu.memref_slice %arg4[%add3A_69, %dma_wait3A_74] : memref<327680x32xf32, #tpu.memory_space<hbm>> -> memref<128x32xf32, #tpu.memory_space<hbm>>
      %dma_wait3A_76 = arith.constant 0 : i32
      %dma_wait3A_77 = tpu.memref_slice %arg4[%add3A_69, %dma_wait3A_76] : memref<327680x32xf32, #tpu.memory_space<hbm>> -> memref<128x32xf32, #tpu.memory_space<hbm>>
      tpu.wait_dma2 semaphore(%arg11 : memref<!tpu.dma_semaphore, #tpu.memory_space<semaphore_mem>>) src(%arg7 : memref<128x32xf32, #tpu.memory_space<vmem>>) dst(%dma_wait3A_77 : memref<128x32xf32, #tpu.memory_space<hbm>>)
      %add3A_78 = arith.constant 2 : i32
      %add3A_79 = arith.addi %add3A_54, %add3A_78 : i32
      %lt3A_80 = arith.constant 80 : i32
      %lt3A_81 = arith.cmpi slt, %add3A_79, %lt3A_80 : i32
      %convert_element_type3A_82 = arith.extui %lt3A_81 : i1 to i32
      %cond3A_83 = arith.constant 0 : i32
      %cond3A_84 = arith.cmpi ne, %convert_element_type3A_82, %cond3A_83 : i32
      scf.if %cond3A_84 {
        %add3A_85 = arith.constant 2 : i32
        %add3A_86 = arith.addi %add3A_54, %add3A_85 : i32
        %dma_start3A_87 = arith.constant 0 : i32
        %dma_start3A_88 = tpu.memref_slice %arg5[%add3A_86, %dma_start3A_87] : memref<80x128xi32, #tpu.memory_space<vmem>> -> memref<1x128xi32, #tpu.memory_space<vmem>>
        %dma_start3A_89 = tpu.memref_squeeze %dma_start3A_88 : memref<1x128xi32, #tpu.memory_space<vmem>> -> memref<128xi32, #tpu.memory_space<vmem>>
        %dma_start3A_90 = arith.constant 0 : i32
        %dma_start3A_91 = arith.constant 0 : i32
        %dma_start3A_92 = tpu.memref_slice %arg3[%dma_start3A_90, %dma_start3A_91] : memref<1000000x32xf32, #tpu.memory_space<hbm>> -> memref<1000000x32xf32, #tpu.memory_space<hbm>>
        tpu.enqueue_indirect_dma source(%dma_start3A_92 : memref<1000000x32xf32, #tpu.memory_space<hbm>>) target(%arg7 : memref<128x32xf32, #tpu.memory_space<vmem>>) offsets(%dma_start3A_89 : memref<128xi32, #tpu.memory_space<vmem>>) semaphore(%arg9 : memref<!tpu.dma_semaphore, #tpu.memory_space<semaphore_mem>>)
      } else {
      }
    }
    %scan3A_19 = arith.constant 40 : i32
    return
  }
}

</mosaic_0001>

<sc_bundles>
// kernel: kernel.3.cloned.1.call-start
scs
__scs_entry_jumppad:
0x0: {  	(pc) =	sbr.rel $0x88, $3  }
0x1: {  	(tag) =	ssettag $0x0;
	lr =	simm.s32 $0x1  }
0x2: {  	[smem:$0x3F9F] =	sst lr;
	_ =	strace $0xD0000000  }
0x3: {  	_ = 	snop  }
0x4: {  	_ = 	snop  }
0x5: {  	_ = 	snop  }
0x6: {  	_ = 	snop  }
0x7: {  	_ = 	snop  }
__scs_overlays_trampoline_lowered:
0x8: {  	[smem:$0x3FAE] =	sst s0  }
0x9: {  	[smem:$0x3FAF] =	sst s1  }
0xa: {  	[smem:$0x3FB0] =	sst s2  }
0xb: {  	[smem:$0x3FB1] =	sst s3  }
0xc: {  	[smem:$0x3FB2] =	sst s4  }
0xd: {  	[smem:$0x3FB3] =	sst s5  }
0xe: {  	[smem:$0x3FB4] =	sst s6  }
0xf: {  	[smem:$0x3FB5] =	sst s7  }
0x10: {  	[smem:$0x3FB6] =	sst s8  }
0x11: {  	[smem:$0x3FB7] =	sst s9;
	s0 =	simm.s32 @!p0 $0x0  }
0x12: {  	s1 =	sld [smem:$0x3F9D];
	s0 =	simm.s32 @p0 $0x1  }
0x13: {  	[smem:$0x3FB8] =	sst s0;
	s0 =	simm.s32 @!p1 $0x0  }
0x14: {  	s2 =	sld [smem:$0x3F9C];
	s0 =	simm.s32 @p1 $0x1  }
0x15: {  	[smem:$0x3FB9] =	sst s0;
	s0 =	simm.s32 @!p2 $0x0  }
0x16: {  	s3 =	sld [smem:$0x3FDB];
	s0 =	simm.s32 @p2 $0x1  }
0x17: {  	s4 =	simm.s32 $0x1BF5;
	[smem:$0x3FBB] =	sst s0  }
0x18: {  	s0 =	sld [smem:$0x3F9E];
	_ =	swait.ge [sflag:s4], $0x0  }
0x19: {  	s7 =	sld [smem:$0x3F9F]  }
0x1a: {  	s8 =	sadd.s32 $0xFFFFE003, lr  }
0x1b: {  	s9 =	sadd.s32 $0xFFFFFEF7, lr;
	s5 =	simm.s32 $0xFFFFFFFF;
	p2 =	slt.u32 s8, $0xFFFFF086  }
0x1c: {  	p1 =	slt.u32 s9, $0xF7A;
	s5 =	simm.s32 @!p2 $0x0  }
0x1d: {  	s5 =	simm.s32 @p1 $0x1;
	p0 =	seq.s32 s7, s2  }
0x1e: {  	s7 =	smul.u32 @!p0 $0xF7A, s2;
	p2 =	seq.s32 @!p0 s5, $0x0  }
0x1f: {  	s9 =	smul.u32 $0xF7A, s1;
	s8 =	simm.s32 @!p0 $0x1BF5;
	p2 =	por !p2, p0  }
0x20: {  	[sflag:s8] =	ssyncset.s32 @!p0 $0xFFFFF086;
	s6 =	sadd.s32 @!p0 s3, s7;
	s7 =	simm.s32 @!p0 $0x108  }
0x21: {  	s3 =	sadd.s32 s3, s9;
	s6 =	sadd.s32 @!p0 $0x88, s6;
	s7 =	simm.s32 @p2 $0x1082  }
0x22: {  	[simem:s7], [sflag:s8] =	dma.local @!p0 [hbm:s6], $0xF7A  }
0x23: {  	s9 =	sor.u32 $0xD0000000, s2;
	s6 =	simm.s32 $0x108;
	_ =	swait.ge @!p0 [sflag:s8], $0x0  }
0x24: {  	s3 =	sadd.s32 $0x88, s3;
	s6 =	simm.s32 @!p1 $0x1082;
	[sflag:s4] =	ssyncset.s32 $0xFFFFF086  }
0x25: {  	[simem:s6], [sflag:s4] =	dma.local [hbm:s3], $0xF7A  }
0x26: {  	[smem:$0x3F9F] =	sst s1;
	(tag) =	ssettag s2;
	_ =	strace s9  }
0x27: {  	s1 =	sld [smem:$0x3FAF]  }
0x28: {  	s2 =	sld [smem:$0x3FB0]  }
0x29: {  	s4 =	sld [smem:$0x3FB2]  }
0x2a: {  	p0 =	seq.s32 s5, $0x0;
	s5 =	sld [smem:$0x3FB3]  }
0x2b: {  	s6 =	sld [smem:$0x3FB4]  }
0x2c: {  	s7 =	sld [smem:$0x3FB5]  }
0x2d: {  	s3 =	simm.s32 $0x108;
	s8 =	sld [smem:$0x3FB6]  }
0x2e: {  	s3 =	simm.s32 @!p0 $0x1082;
	s9 =	sld [smem:$0x3FB7]  }
0x2f: {  	lr =	sadd.s32 s0, s3;
	s0 =	sld [smem:$0x3FAE]  }
0x30: {  	s3 =	sld [smem:$0x3FB1]  }
0x31: {  	[smem:$0x3FBA] =	sst s10  }
0x32: {  	s10 =	sld [smem:$0x3FB8];
	_ =	sdelay $0x3  }
0x33: {  	p0 =	seq.s32 s10, $0x1;
	s10 =	sld [smem:$0x3FBA];
	_ =	sdelay $0x3  }
0x34: {  	[smem:$0x3FBA] =	sst s10  }
0x35: {  	s10 =	sld [smem:$0x3FB9];
	_ =	sdelay $0x3  }
0x36: {  	p1 =	seq.s32 s10, $0x1;
	s10 =	sld [smem:$0x3FBA];
	_ =	sdelay $0x3  }
0x37: {  	[smem:$0x3FBA] =	sst s10  }
0x38: {  	s10 =	sld [smem:$0x3FBB]  }
0x39: {  	_ = 	snop;
	(pc) =	sbr.ind lr, $3  }
0x3a: {  	_ = 	snop  }
0x3b: {  	_ = 	snop  }
0x3c: {  	p2 =	seq.s32 s10, $0x1;
	s10 =	sld [smem:$0x3FBA]  }
0x3d: {  	_ =	shalt  }
0x3e: {  	_ =	shalt  }
0x3f: {  	_ =	shalt  }
0x40: {  	_ =	shalt  }
0x41: {  	_ =	shalt  }
0x42: {  	_ =	shalt  }
0x43: {  	_ =	shalt  }
0x44: {  	_ =	shalt  }
0x45: {  	_ =	shalt  }
0x46: {  	_ =	shalt  }
0x47: {  	_ =	shalt  }
0x48: {  	_ =	shalt  }
0x49: {  	_ =	shalt  }
0x4a: {  	_ =	shalt  }
0x4b: {  	_ =	shalt  }
0x4c: {  	_ =	shalt  }
0x4d: {  	_ =	shalt  }
0x4e: {  	_ =	shalt  }
0x4f: {  	_ =	shalt  }
0x50: {  	_ =	shalt  }
0x51: {  	_ =	shalt  }
0x52: {  	_ =	shalt  }
0x53: {  	_ =	shalt  }
0x54: {  	_ =	shalt  }
0x55: {  	_ =	shalt  }
0x56: {  	_ =	shalt  }
0x57: {  	_ =	shalt  }
0x58: {  	_ =	shalt  }
0x59: {  	_ =	shalt  }
0x5a: {  	_ =	shalt  }
0x5b: {  	_ =	shalt  }
0x5c: {  	_ =	shalt  }
0x5d: {  	_ =	shalt  }
0x5e: {  	_ =	shalt  }
0x5f: {  	_ =	shalt  }
0x60: {  	_ =	shalt  }
0x61: {  	_ =	shalt  }
0x62: {  	_ =	shalt  }
0x63: {  	_ =	shalt  }
0x64: {  	_ =	shalt  }
0x65: {  	_ =	shalt  }
0x66: {  	_ =	shalt  }
0x67: {  	_ =	shalt  }
0x68: {  	_ =	shalt  }
0x69: {  	_ =	shalt  }
0x6a: {  	_ =	shalt  }
0x6b: {  	_ =	shalt  }
0x6c: {  	_ =	shalt  }
0x6d: {  	_ =	shalt  }
0x6e: {  	_ =	shalt  }
0x6f: {  	_ =	shalt  }
0x70: {  	_ =	shalt  }
0x71: {  	_ =	shalt  }
0x72: {  	_ =	shalt  }
0x73: {  	_ =	shalt  }
0x74: {  	_ =	shalt  }
0x75: {  	_ =	shalt  }
0x76: {  	_ =	shalt  }
0x77: {  	_ =	shalt  }
0x78: {  	_ =	shalt  }
0x79: {  	_ =	shalt  }
0x7a: {  	_ =	shalt  }
0x7b: {  	_ =	shalt  }
0x7c: {  	_ =	shalt  }
0x7d: {  	_ =	shalt  }
0x7e: {  	_ =	shalt  }
0x7f: {  	_ =	shalt  }
0x80: {  	_ =	shalt  }
0x81: {  	_ =	shalt  }
0x82: {  	_ =	shalt  }
0x83: {  	_ =	shalt  }
0x84: {  	_ =	shalt  }
0x85: {  	_ =	shalt  }
0x86: {  	_ =	shalt  }
0x87: {  	_ =	shalt  }
.Lfunc_end0:
.L_simem_size_0:
called_computation.1_lowered:
.L_overlay_start_0:
0x88: {  	s2 =	sld [smem:$0x3FD9]  }
0x89: {  	s3 =	sld [smem:$0x3FFE];
	_ =	sdelay $0x1  }
0x8a: {  	s1 =	srdreg.scid  }
0x8b: {  	s0 =	sand.u32 $0x1, s1  }
0x8c: {  	s17 =	sshll.u32 s0, $0xA;
	s2 =	sadd.s32 s3, s2  }
0x8d: {  	s2 =	sadd.s32 s2, s17  }
0x8e: {  	[smem:$0x3FC6] =	sst s2  }
0x8f: {  	_ = 	snop  }
0x90: {  	s2 =	sld [smem:$0x3FD0];
	(tm) =	ssettm $0x1  }
0x91: {  	s18 =	sld [smem:$0x3FFB];
	_ =	sdelay $0x3  }
0x92: {  	_ =	strace s18  }
0x93: {  	s3 =	sld [smem:$0x3FFC];
	_ =	sdelay $0x3  }
0x94: {  	_ =	strace s3  }
0x95: {  	s3 =	sld [smem:$0x3FFD];
	_ =	sdelay $0x3  }
0x96: {  	_ =	strace s3  }
0x97: {  	_ =	strace $0x8FFFFFFF  }
0x98: {  	s19 =	sld [smem:$0x3FDB];
	_ =	sdelay $0x1  }
0x99: {  	s4 =	simm.s32 $_scs_section_size  }
0x9a: {  	s5 =	simm.s32 $_size__tile_overlayer_lowered;
	s6 =	simm.s32 $_tile_overlayer_lowered  }
0x9b: {  	s22 =	simm.s32 $0x1BFF;
	s21 =	sshll.u32 s6, $0x1;
	s3 =	sadd.s32 s4, s19  }
0x9c: {  	s7 =	simm.s32 $0x0;
	s20 =	sshll.u32 s5, $0x1;
	s5 =	sadd.s32 s21, s3  }
0x9d: {  	[timem:s7], [sflag:s22] =	dma.local [hbm:s5], s20  }
0x9e: {  	_ =	swait.ge [sflag:s22], s20  }
0x9f: {  	s4 =	ssub.s32 $0x0, s20;
	[sflag:s22] =	ssyncset.done $0x0  }
0xa0: {  	[sflag:s22] =	ssyncadd.s32 s4;
	_ =	sdelay $0x1  }
0xa1: {  	s23 =	simm.s32 $0x1B8B  }
0xa2: {  	_ =	swait.ge [sflag:s23], $0x1  }
0xa3: {  	[sflag:s23] =	ssyncset.done $0x0  }
0xa4: {  	s25 =	simm.s32 $0x1B8E;
	s24 =	sld [smem:$0x3FFE];
	[sflag:s23] =	ssyncadd.s32 $0xFFFFFFFF  }
0xa5: {  	s26 =	simm.s32 $execute0_lowered;
	[smem:$0x3FD2] =	sst s25  }
0xa6: {  	s5 =	sshll.u32 s26, $0x1;
	_ =	strace $0x80000046;
	[dreg:$0x1] =	wrdreg $0xFFFFFFFF  }
0xa7: {  	s28 =	simm.s32 $_size_execute0_lowered;
	s3 =	sadd.s32 s3, s5;
	[dreg:$0x0] =	wrdreg $0x0  }
0xa8: {  	s5 =	sshll.u32 s28, $0x1;
	[dreg:$0x2] =	wrdreg s3  }
0xa9: {  	[dreg:$0x3] =	wrdreg s5  }
0xaa: {  	[dreg:$0x4] =	wrdreg $0xC0  }
0xab: {  	_ =	task [dreg:s7], $0x5FFFF  }
0xac: {  	[dreg:$0x1] =	wrdreg $0xFFFFFFFF  }
0xad: {  	[dreg:$0x0] =	wrdreg $0x60  }
0xae: {  	[dreg:$0x2] =	wrdreg s24  }
0xaf: {  	[dreg:$0x3] =	wrdreg s2  }
0xb0: {  	[dreg:$0x4] =	wrdreg $0x9  }
0xb1: {  	_ =	task.clear_ibuf [dreg:s7], $0x5FFFF;
	_ =	strace $0x90000046  }
0xb2: {  	s29 =	simm.s32 $0x9;
	_ =	strace $0x80000048  }
0xb3: {  	_ =	swait.ge [sflag:s29], $0x1  }
0xb4: {  	[sflag:s29] =	ssyncadd.s32 $0xFFFFFFFF  }
0xb5: {  	_ =	strace $0x90000048  }
0xb6: {  	_ =	sfence  }
0xb7: {  	s30 =	sld [smem:$0x0];
	_ =	sdelay $0x2  }
0xb8: {  	s31 =	sshll.u32 s1, $0xD;
	s1 =	sshrl.u32 s1, $0x2  }
0xb9: {  	s3 =	sand.u32 $0x4000, s31;
	s1 =	sadd.s32 s1, s30  }
0xba: {  	s0 =	sor.u32 s3, s0;
	s1 =	sshll.u32 s1, $0x11  }
0xbb: {  	s0 =	sor.u32 s1, s0  }
0xbc: {  	s0 =	sadd.s32 $0x8F2B, s0  }
0xbd: {  	[sflag:s0] =	ssyncadd.remote.s32 $0x1  }
0xbe: {  	_ =	sfence.sel $0xFFFF  }
0xbf: {  	[dreg:$0x0] =	wrdreg $0xFFFFFFFF;
	(pc) =	sbr.abs _section_cstart, $3  }
0xc0: {  	[dreg:$0x1] =	wrdreg $0xFFFFFFFF  }
0xc1: {  	_ =	task.clear_ibuf [dreg:s7], $0x2FFFF;
	_ =	strace $0x9FFFFFFF  }
0xc2: {  	(tm) =	ssettm $0x7FFFFFFF  }
0xc3: {  	_ =	shalt  }
tec
execute0_lowered:
.L_overlay_start_1:
0x0: {  	(tag) =	ssettag $0x1  }
0x1: {  	s4 =	rddreg [dreg:$0x0]  }
0x2: {  	s1 =	srdreg.scid;
	s0 =	stileid.u32  }
0x3: {  	s2 =	rddreg [dreg:$0x1];
	s3 =	simm.s32 $0x0;
	s10 =	simm.s32 $0x80  }
0x4: {  	s11 =	simm.s32 $0x2800;
	s12 =	simm.s32 $0x3800;
	s13 =	simm.s32 $0x1  }
0x5: {  	s14 =	simm.s32 $0x3;
	s5 =	sand.u32 $0x1, s1;
	s6 =	sshll.u32 s0, $0x1  }
0x6: {  	s15 =	simm.s32 $0x2;
	s16 =	simm.s32 $0x4;
	s6 =	sor.u32 s5, s6  }
0x7: {  	s17 =	simm.s32 $0x0;
	s1 =	rddreg [dreg:$0x2];
	s7 =	smul.u32 $0x500, s6  }
.Ltmp0:
0x8: {  	[smem:$0x7FF] =	sst s3;
	s5 =	ssub.s32 $0x2, s5;
	(pc) =	sbr.rel .LBB2_1-.Ltmp0, $4  }
0x9: {  	_ =	strace $0x80000047;
	s8 =	smul.u32 $0xA000, s6;
	s9 =	sshrl.u32 s5, $0x1  }
0xa: {  	s6 =	smul.u32 $0x50000, s6;
	s9 =	ssub.s32 s5, s9;
	s7 =	sadd.s32 s7, s4  }
0xb: {  	s4 =	sadd.s32 $0xF42E00, s4;
	s8 =	sadd.s32 s8, s2;
	s5 =	sadd.s32 $0xA00, s7  }
0xc: {  	s7 =	smax.u32 s9, $0x1;
	s8 =	sadd.s32 $0x200, s8;
	s9 =	simm.s32 $0x5  }
.LBB2_8:
0xd: {  	s17 =	sadd.s32 $0x1, s17  }
0xe: {  	p0 =	sne.s32 s17, s7  }
.Ltmp1:
0xf: {  	_ = 	snop;
	(pc) =	sbr.rel @!p0 .LBB2_9-.Ltmp1, $1  }
0x10: {  	_ =	sdelay $0x3  }
.LBB2_1:
0x11: {  	[tilespmem:s3], [sflag:$0x5] =	stream.linear.gather [hbm4b:s5+s3], $0x2800, $0x38;
	[tilespmem:$0x4800] =	vst v63  }
0x12: {  	_ =	swait.ge [sflag:s9], $0x2800  }
0x13: {  	[sflag:s9] =	ssyncset.done $0x0  }
0x14: {  	[sflag:s9] =	ssyncadd.s32 $0xFFFFD800  }
0x15: {  	[tilespmem:s11], [sflag:$0x1] =	stream.indirect.gather [hbm4b:s4+s10], $0x20, s3, s10, $0xb8;
	[tilespmem:$0x4800] =	vst v63  }
0x16: {  	s18 =	simm.s32 $0x0  }
0x17: {  	[tilespmem:s12], [sflag:$0x2] =	stream.indirect.gather [hbm4b:s4+s10], $0x20, s10, s10, $0xb8;
	[tilespmem:$0x4800] =	vst v63  }
.LBB2_2:
0x18: {  	_ =	swait.ge [sflag:s13], $0x1000  }
0x19: {  	[sflag:s13] =	ssyncset.done $0x0  }
0x1a: {  	s19 =	simm.s32 $0x2880;
	[sflag:s13] =	ssyncadd.s32 $0xFFFFF000  }
0x1b: {  	v0 =	vld [tilespmem:s19+$0xFFFFFF80]  }
0x1c: {  	v1 =	vld [tilespmem:s19+$0xFFFFFF90]  }
0x1d: {  	v2 =	vld [tilespmem:s19+$0xFFFFFFA0]  }
0x1e: {  	v3 =	vld [tilespmem:s19+$0xFFFFFFB0]  }
0x1f: {  	v4 =	vld [tilespmem:s19+$0xFFFFFFC0]  }
0x20: {  	v5 =	vld [tilespmem:s19+$0xFFFFFFD0];
	v0 =	vmul.f32 $5.656854150e+00, v0  }
0x21: {  	v6 =	vld [tilespmem:s19+$0xFFFFFFE0];
	v1 =	vmul.f32 $5.656854150e+00, v1  }
0x22: {  	[tilespmem:s19+$0xFFFFFF80] =	vst v0;
	v0 =	vmul.f32 $5.656854150e+00, v2;
	v2 =	vld [tilespmem:s19+$0x0]  }
0x23: {  	[tilespmem:s19+$0xFFFFFF90] =	vst v1;
	v1 =	vmul.f32 $5.656854150e+00, v3;
	v3 =	vld [tilespmem:s19+$0x10]  }
0x24: {  	[tilespmem:s19+$0xFFFFFFA0] =	vst v0;
	v0 =	vmul.f32 $5.656854150e+00, v4;
	v4 =	vld [tilespmem:s19+$0x20]  }
0x25: {  	v7 =	vld [tilespmem:s19+$0x30];
	[tilespmem:s19+$0xFFFFFFB0] =	vst v1;
	v1 =	vmul.f32 $5.656854150e+00, v5  }
0x26: {  	v5 =	vmul.f32 $5.656854150e+00, v6;
	[tilespmem:s19+$0xFFFFFFC0] =	vst v0;
	v0 =	vld [tilespmem:s19+$0x40]  }
0x27: {  	[tilespmem:s19+$0xFFFFFFD0] =	vst v1;
	v1 =	vmul.f32 $5.656854150e+00, v2;
	v2 =	vld [tilespmem:s19+$0x50]  }
0x28: {  	[tilespmem:s19+$0xFFFFFFE0] =	vst v5;
	v6 =	vmul.f32 $5.656854150e+00, v3;
	v3 =	vld [tilespmem:s19+$0x60]  }
0x29: {  	[tilespmem:s19+$0x0] =	vst v1;
	v5 =	vmul.f32 $5.656854150e+00, v4;
	v4 =	vld [tilespmem:s19+$0x70]  }
0x2a: {  	s20 =	simm.s32 $0x0;
	s21 =	simm.s32 $0x2980;
	v1 =	vld [tilespmem:s19+$0xFFFFFFF0];
	[tilespmem:s19+$0x10] =	vst v6;
	v6 =	vmul.f32 $5.656854150e+00, v7  }
.LBB2_3:
0x2b: {  	v7 =	vld [tilespmem:s21+$0xFFFFFF80];
	[tilespmem:s19+$0x20] =	vst v5;
	v0 =	vmul.f32 $5.656854150e+00, v0  }
0x2c: {  	v5 =	vld [tilespmem:s21+$0xFFFFFF90];
	[tilespmem:s19+$0x30] =	vst v6;
	v2 =	vmul.f32 $5.656854150e+00, v2  }
0x2d: {  	v6 =	vld [tilespmem:s21+$0xFFFFFFA0];
	[tilespmem:s19+$0x40] =	vst v0;
	v0 =	vmul.f32 $5.656854150e+00, v3  }
0x2e: {  	v3 =	vld [tilespmem:s21+$0xFFFFFFB0];
	[tilespmem:s19+$0x50] =	vst v2;
	v2 =	vmul.f32 $5.656854150e+00, v4  }
0x2f: {  	v4 =	vld [tilespmem:s21+$0xFFFFFFC0];
	v1 =	vmul.f32 $5.656854150e+00, v1;
	[tilespmem:s19+$0x60] =	vst v0  }
0x30: {  	v0 =	vmul.f32 $5.656854150e+00, v7;
	v7 =	vld [tilespmem:s21+$0xFFFFFFD0];
	[tilespmem:s19+$0x70] =	vst v2  }
0x31: {  	v2 =	vmul.f32 $5.656854150e+00, v5;
	v5 =	vld [tilespmem:s21+$0xFFFFFFE0];
	[tilespmem:s19+$0xFFFFFFF0] =	vst v1;
	s19 =	smov.u32 s21  }
0x32: {  	[tilespmem:s21+$0xFFFFFF80] =	vst v0;
	v0 =	vmul.f32 $5.656854150e+00, v6;
	v1 =	vld [tilespmem:s21+$0x0]  }
0x33: {  	[tilespmem:s21+$0xFFFFFF90] =	vst v2;
	v2 =	vmul.f32 $5.656854150e+00, v3;
	v3 =	vld [tilespmem:s21+$0x10]  }
0x34: {  	s20 =	sadd.s32 $0x8, s20;
	[tilespmem:s21+$0xFFFFFFA0] =	vst v0;
	v0 =	vmul.f32 $5.656854150e+00, v4;
	v4 =	vld [tilespmem:s21+$0x20]  }
0x35: {  	p0 =	slt.u32 s20, $0x78;
	[tilespmem:s21+$0xFFFFFFB0] =	vst v2;
	v2 =	vmul.f32 $5.656854150e+00, v7;
	v6 =	vld [tilespmem:s21+$0x30]  }
.Ltmp2:
0x36: {  	[tilespmem:s21+$0xFFFFFFC0] =	vst v0;
	v5 =	vmul.f32 $5.656854150e+00, v5;
	v0 =	vld [tilespmem:s21+$0x40];
	(pc) =	sbr.rel @p0 .LBB2_3-.Ltmp2, $4  }
0x37: {  	[tilespmem:s21+$0xFFFFFFD0] =	vst v2;
	v1 =	vmul.f32 $5.656854150e+00, v1;
	v2 =	vld [tilespmem:s21+$0x50]  }
0x38: {  	[tilespmem:s21+$0xFFFFFFE0] =	vst v5;
	v7 =	vmul.f32 $5.656854150e+00, v3;
	v3 =	vld [tilespmem:s21+$0x60]  }
0x39: {  	[tilespmem:s21+$0x0] =	vst v1;
	v5 =	vmul.f32 $5.656854150e+00, v4;
	v4 =	vld [tilespmem:s21+$0x70]  }
0x3a: {  	s21 =	sadd.s32 $0x100, s21;
	v1 =	vld [tilespmem:s19+$0xFFFFFFF0];
	[tilespmem:s19+$0x10] =	vst v7;
	v6 =	vmul.f32 $5.656854150e+00, v6  }
0x3b: {  	[tilespmem:s19+$0x20] =	vst v5;
	v0 =	vmul.f32 $5.656854150e+00, v0  }
0x3c: {  	[tilespmem:s19+$0x30] =	vst v6;
	v2 =	vmul.f32 $5.656854150e+00, v2  }
0x3d: {  	[tilespmem:s19+$0x40] =	vst v0;
	v0 =	vmul.f32 $5.656854150e+00, v3  }
0x3e: {  	s20 =	sshll.u32 s18, $0xD;
	[tilespmem:s19+$0x50] =	vst v2;
	v2 =	vmul.f32 $5.656854150e+00, v4  }
0x3f: {  	s20 =	sadd.s32 s6, s20;
	v1 =	vmul.f32 $5.656854150e+00, v1;
	[tilespmem:s19+$0x60] =	vst v0  }
0x40: {  	s20 =	sshrl.u32 s20, $0x3;
	[tilespmem:s19+$0x70] =	vst v2  }
0x41: {  	s31 =	sadd.s32 s2, s20;
	[tilespmem:s19+$0xFFFFFFF0] =	vst v1  }
0x42: {  	[hbm4b:s31+s3] =	stream.linear.scatter [tilespmem:s11], [sflag:$0x3], $0x1000, $0x38;
	[tilespmem:$0x4800] =	vst v63  }
0x43: {  	p0 =	seq.s32 s18, $0x27;
	s19 =	sshll.u32 s18, $0xA;
	_ =	swait.ge [sflag:s14], $0x1000  }
0x44: {  	s21 =	simm.s32 @!p0 $0x80;
	s20 =	sshra.s32 @!p0 s19, $0x2;
	[sflag:s14] =	ssyncset.done $0x0  }
0x45: {  	s22 =	simm.s32 @!p0 $0x2800;
	s20 =	sadd.s32 @!p0 $0x100, s20;
	[sflag:s14] =	ssyncadd.s32 $0xFFFFF000  }
0x46: {  	[tilespmem:s22], [sflag:$0x1] =	stream.indirect.gather @!p0 [hbm4b:s4+s21], $0x20, s20, s21, $0xb8;
	[tilespmem:$0x4800] =	vst v63  }
0x47: {  	_ =	swait.ge [sflag:s15], $0x1000  }
0x48: {  	[sflag:s15] =	ssyncset.done $0x0  }
0x49: {  	s20 =	simm.s32 $0x3880;
	[sflag:s15] =	ssyncadd.s32 $0xFFFFF000  }
0x4a: {  	v0 =	vld [tilespmem:s20+$0xFFFFFF80]  }
0x4b: {  	v1 =	vld [tilespmem:s20+$0xFFFFFF90]  }
0x4c: {  	v2 =	vld [tilespmem:s20+$0xFFFFFFA0]  }
0x4d: {  	v3 =	vld [tilespmem:s20+$0xFFFFFFB0]  }
0x4e: {  	v4 =	vld [tilespmem:s20+$0xFFFFFFC0]  }
0x4f: {  	v5 =	vld [tilespmem:s20+$0xFFFFFFD0];
	v0 =	vmul.f32 $5.656854150e+00, v0  }
0x50: {  	v6 =	vld [tilespmem:s20+$0xFFFFFFE0];
	v1 =	vmul.f32 $5.656854150e+00, v1  }
0x51: {  	[tilespmem:s20+$0xFFFFFF80] =	vst v0;
	v0 =	vmul.f32 $5.656854150e+00, v2;
	v2 =	vld [tilespmem:s20+$0x0]  }
0x52: {  	[tilespmem:s20+$0xFFFFFF90] =	vst v1;
	v1 =	vmul.f32 $5.656854150e+00, v3;
	v3 =	vld [tilespmem:s20+$0x10]  }
0x53: {  	[tilespmem:s20+$0xFFFFFFA0] =	vst v0;
	v0 =	vmul.f32 $5.656854150e+00, v4;
	v4 =	vld [tilespmem:s20+$0x20]  }
0x54: {  	v7 =	vld [tilespmem:s20+$0x30];
	[tilespmem:s20+$0xFFFFFFB0] =	vst v1;
	v1 =	vmul.f32 $5.656854150e+00, v5  }
0x55: {  	v5 =	vmul.f32 $5.656854150e+00, v6;
	[tilespmem:s20+$0xFFFFFFC0] =	vst v0;
	v0 =	vld [tilespmem:s20+$0x40]  }
0x56: {  	[tilespmem:s20+$0xFFFFFFD0] =	vst v1;
	v1 =	vld [tilespmem:s20+$0x50];
	v2 =	vmul.f32 $5.656854150e+00, v2  }
0x57: {  	[tilespmem:s20+$0xFFFFFFE0] =	vst v5;
	v6 =	vmul.f32 $5.656854150e+00, v3;
	v3 =	vld [tilespmem:s20+$0x60]  }
0x58: {  	[tilespmem:s20+$0x0] =	vst v2;
	v5 =	vmul.f32 $5.656854150e+00, v4;
	v4 =	vld [tilespmem:s20+$0x70]  }
0x59: {  	s21 =	simm.s32 $0x0;
	s22 =	simm.s32 $0x3980;
	v2 =	vld [tilespmem:s20+$0xFFFFFFF0];
	[tilespmem:s20+$0x10] =	vst v6;
	v6 =	vmul.f32 $5.656854150e+00, v7  }
.LBB2_5:
0x5a: {  	v7 =	vld [tilespmem:s22+$0xFFFFFF80];
	[tilespmem:s20+$0x20] =	vst v5;
	v0 =	vmul.f32 $5.656854150e+00, v0  }
0x5b: {  	v5 =	vld [tilespmem:s22+$0xFFFFFF90];
	[tilespmem:s20+$0x30] =	vst v6;
	v1 =	vmul.f32 $5.656854150e+00, v1  }
0x5c: {  	v6 =	vld [tilespmem:s22+$0xFFFFFFA0];
	[tilespmem:s20+$0x40] =	vst v0;
	v0 =	vmul.f32 $5.656854150e+00, v3  }
0x5d: {  	v3 =	vld [tilespmem:s22+$0xFFFFFFB0];
	[tilespmem:s20+$0x50] =	vst v1;
	v1 =	vmul.f32 $5.656854150e+00, v4  }
0x5e: {  	v4 =	vld [tilespmem:s22+$0xFFFFFFC0];
	v2 =	vmul.f32 $5.656854150e+00, v2;
	[tilespmem:s20+$0x60] =	vst v0  }
0x5f: {  	v0 =	vmul.f32 $5.656854150e+00, v7;
	v7 =	vld [tilespmem:s22+$0xFFFFFFD0];
	[tilespmem:s20+$0x70] =	vst v1  }
0x60: {  	v1 =	vmul.f32 $5.656854150e+00, v5;
	v5 =	vld [tilespmem:s22+$0xFFFFFFE0];
	[tilespmem:s20+$0xFFFFFFF0] =	vst v2;
	s20 =	smov.u32 s22  }
0x61: {  	[tilespmem:s22+$0xFFFFFF80] =	vst v0;
	v0 =	vmul.f32 $5.656854150e+00, v6;
	v2 =	vld [tilespmem:s22+$0x0]  }
0x62: {  	[tilespmem:s22+$0xFFFFFF90] =	vst v1;
	v1 =	vmul.f32 $5.656854150e+00, v3;
	v3 =	vld [tilespmem:s22+$0x10]  }
0x63: {  	s21 =	sadd.s32 $0x8, s21;
	[tilespmem:s22+$0xFFFFFFA0] =	vst v0;
	v0 =	vmul.f32 $5.656854150e+00, v4;
	v4 =	vld [tilespmem:s22+$0x20]  }
0x64: {  	p1 =	slt.u32 s21, $0x78;
	[tilespmem:s22+$0xFFFFFFB0] =	vst v1;
	v1 =	vmul.f32 $5.656854150e+00, v7;
	v6 =	vld [tilespmem:s22+$0x30]  }
.Ltmp3:
0x65: {  	[tilespmem:s22+$0xFFFFFFC0] =	vst v0;
	v5 =	vmul.f32 $5.656854150e+00, v5;
	v0 =	vld [tilespmem:s22+$0x40];
	(pc) =	sbr.rel @p1 .LBB2_5-.Ltmp3, $4  }
0x66: {  	[tilespmem:s22+$0xFFFFFFD0] =	vst v1;
	v2 =	vmul.f32 $5.656854150e+00, v2;
	v1 =	vld [tilespmem:s22+$0x50]  }
0x67: {  	[tilespmem:s22+$0xFFFFFFE0] =	vst v5;
	v7 =	vmul.f32 $5.656854150e+00, v3;
	v3 =	vld [tilespmem:s22+$0x60]  }
0x68: {  	[tilespmem:s22+$0x0] =	vst v2;
	v5 =	vmul.f32 $5.656854150e+00, v4;
	v4 =	vld [tilespmem:s22+$0x70]  }
0x69: {  	s22 =	sadd.s32 $0x100, s22;
	v2 =	vld [tilespmem:s20+$0xFFFFFFF0];
	[tilespmem:s20+$0x10] =	vst v7;
	v6 =	vmul.f32 $5.656854150e+00, v6  }
0x6a: {  	[tilespmem:s20+$0x20] =	vst v5;
	v0 =	vmul.f32 $5.656854150e+00, v0  }
0x6b: {  	[tilespmem:s20+$0x30] =	vst v6;
	v1 =	vmul.f32 $5.656854150e+00, v1  }
0x6c: {  	[tilespmem:s20+$0x40] =	vst v0;
	v62 =	vmul.f32 $5.656854150e+00, v3  }
0x6d: {  	[tilespmem:s20+$0x50] =	vst v1;
	v63 =	vmul.f32 $5.656854150e+00, v4  }
0x6e: {  	v2 =	vmul.f32 $5.656854150e+00, v2;
	[tilespmem:s20+$0x60] =	vst v62  }
0x6f: {  	[tilespmem:s20+$0x70] =	vst v63  }
.Ltmp4:
0x70: {  	s31 =	sadd.s32 s8, s19;
	[tilespmem:s20+$0xFFFFFFF0] =	vst v2;
	(pc) =	sbr.rel @p0 .LBB2_8-.Ltmp4, $4  }
0x71: {  	[hbm4b:s31+s3] =	stream.linear.scatter [tilespmem:s12], [sflag:$0x4], $0x1000, $0x38;
	[tilespmem:$0x4800] =	vst v63  }
0x72: {  	_ =	swait.ge [sflag:s16], $0x1000  }
0x73: {  	[sflag:s16] =	ssyncset.done $0x0  }
0x74: {  	[sflag:s16] =	ssyncadd.s32 $0xFFFFF000  }
.Ltmp5:
0x75: {  	(pc) =	sbr.rel .LBB2_2-.Ltmp5, $4  }
0x76: {  	_ = 	snop  }
0x77: {  	s19 =	sshra.s32 s19, $0x2  }
0x78: {  	s18 =	sadd.s32 $0x1, s18;
	s19 =	sadd.s32 $0x180, s19  }
0x79: {  	[tilespmem:s12], [sflag:$0x2] =	stream.indirect.gather [hbm4b:s4+s10], $0x20, s19, s10, $0xb8;
	[tilespmem:$0x4800] =	vst v63  }
.LBB2_9:
0x7a: {  	_ =	sfence.sel $0x180000  }
0x7b: {  	[bflag:$0x0] =	sbarrier.arrive $0xFFFF  }
0x7c: {  	p0 =	sne.s32 s0, $0x0;
	_ =	strace $0x90000047  }
0x7d: {  	s0 =	sadd.s32 @!p0 $0x100000, s1;
	[bflag:$0x2] =	sbarrier.arrive $0xFFFF  }
0x7e: {  	[sflag:s0] =	ssyncadd.tile.s32 @!p0 $0x1;
	_ =	shalt  }
.Lfunc_end2:
_tile_overlayer_lowered:
.L_overlay_start_2:
0x7f: {  	(tag) =	ssettag $0x2  }
0x80: {  	s0 =	rddreg [dreg:$0x0];
	s2 =	stileid.u32  }
0x81: {  	s1 =	rddreg [dreg:$0x1];
	p0 =	sne.s32 s2, $0x0  }
0x82: {  	s3 =	rddreg [dreg:$0x2];
	[bflag:$0x3] =	sbarrier.arrive $0xFFFF;
	s2 =	simm.s32 @!p0 $0x1C05  }
0x83: {  	[timem:s3], [sflag:s2] =	dma.local @!p0 [hbm:s0], s1  }
0x84: {  	s0 =	simm.s32 @!p0 $0x5  }
0x85: {  	_ =	swait.ge @!p0 [sflag:s0], s1  }
0x86: {  	s1 =	ssub.s32 @!p0 $0x0, s1;
	[sflag:s0] =	ssyncset.done @!p0 $0x0  }
0x87: {  	[sflag:s0] =	ssyncadd.s32 @!p0 s1  }
0x88: {  	[bflag:$0x3] =	sbarrier.arrive $0xFFFF  }
0x89: {  	_ =	shalt  }

// kernel: sparse-core-data-format-call.cloned.1.call-start
scs
called_computation_lowered:
.L_overlay_start_0:
0x0: {  	s2 =	sld [smem:$0x3FD9]  }
0x1: {  	s3 =	sld [smem:$0x3FFE];
	_ =	sdelay $0x1  }
0x2: {  	s1 =	srdreg.scid  }
0x3: {  	s0 =	sand.u32 $0x1, s1  }
0x4: {  	s18 =	sshll.u32 s0, $0xA;
	s2 =	sadd.s32 s3, s2  }
0x5: {  	s2 =	sadd.s32 s2, s18  }
0x6: {  	[smem:$0x3FC6] =	sst s2  }
0x7: {  	_ = 	snop  }
0x8: {  	s2 =	sld [smem:$0x3FD0];
	(tm) =	ssettm $0x1  }
0x9: {  	s19 =	sld [smem:$0x3FFB];
	_ =	sdelay $0x3  }
0xa: {  	_ =	strace s19  }
0xb: {  	s3 =	sld [smem:$0x3FFC];
	_ =	sdelay $0x3  }
0xc: {  	_ =	strace s3  }
0xd: {  	s3 =	sld [smem:$0x3FFD];
	_ =	sdelay $0x3  }
0xe: {  	_ =	strace s3  }
0xf: {  	_ =	strace $0x8FFFFFFF  }
0x10: {  	s20 =	sld [smem:$0x3FDB];
	_ =	sdelay $0x1  }
0x11: {  	s4 =	simm.s32 $_scs_section_size  }
0x12: {  	s5 =	simm.s32 $_size__tile_overlayer_lowered;
	s6 =	simm.s32 $_tile_overlayer_lowered  }
0x13: {  	s23 =	simm.s32 $0x1BFF;
	s22 =	sshll.u32 s6, $0x1;
	s3 =	sadd.s32 s4, s20  }
0x14: {  	s7 =	simm.s32 $0x0;
	s21 =	sshll.u32 s5, $0x1;
	s5 =	sadd.s32 s22, s3  }
0x15: {  	[timem:s7], [sflag:s23] =	dma.local [hbm:s5], s21  }
0x16: {  	_ =	swait.ge [sflag:s23], s21  }
0x17: {  	s4 =	ssub.s32 $0x0, s21;
	[sflag:s23] =	ssyncset.done $0x0  }
0x18: {  	[sflag:s23] =	ssyncadd.s32 s4;
	_ =	sdelay $0x1  }
0x19: {  	s24 =	simm.s32 $0x1B8B  }
0x1a: {  	_ =	swait.ge [sflag:s24], $0x1  }
0x1b: {  	[sflag:s24] =	ssyncset.done $0x0  }
0x1c: {  	s26 =	simm.s32 $0x1B8E;
	s25 =	sld [smem:$0x3FFE];
	[sflag:s24] =	ssyncadd.s32 $0xFFFFFFFF  }
0x1d: {  	s27 =	simm.s32 $execute0_lowered;
	[smem:$0x3FD2] =	sst s26  }
0x1e: {  	s5 =	sshll.u32 s27, $0x1;
	_ =	strace $0x80000049;
	[dreg:$0x1] =	wrdreg $0xFFFFFFFF  }
0x1f: {  	s28 =	simm.s32 $_size_execute0_lowered;
	s3 =	sadd.s32 s3, s5;
	[dreg:$0x0] =	wrdreg $0x0  }
0x20: {  	s5 =	sshll.u32 s28, $0x1;
	[dreg:$0x2] =	wrdreg s3  }
0x21: {  	[dreg:$0x3] =	wrdreg s5  }
0x22: {  	[dreg:$0x4] =	wrdreg $0xC0  }
0x23: {  	_ =	task [dreg:s7], $0x5FFFF  }
0x24: {  	[dreg:$0x1] =	wrdreg $0xFFFFFFFF  }
0x25: {  	[dreg:$0x0] =	wrdreg $0x60  }
0x26: {  	[dreg:$0x2] =	wrdreg s25  }
0x27: {  	[dreg:$0x3] =	wrdreg s2  }
0x28: {  	[dreg:$0x4] =	wrdreg $0x9  }
0x29: {  	_ =	task.clear_ibuf [dreg:s7], $0x5FFFF;
	_ =	strace $0x90000049  }
0x2a: {  	s29 =	simm.s32 $0x9;
	_ =	strace $0x8000004B  }
0x2b: {  	_ =	swait.ge [sflag:s29], $0x1  }
0x2c: {  	[sflag:s29] =	ssyncadd.s32 $0xFFFFFFFF  }
0x2d: {  	_ =	strace $0x9000004B  }
0x2e: {  	_ =	sfence  }
0x2f: {  	s30 =	sld [smem:$0x0];
	_ =	sdelay $0x2  }
0x30: {  	s31 =	sshll.u32 s1, $0xD;
	s1 =	sshrl.u32 s1, $0x2  }
0x31: {  	s3 =	sand.u32 $0x4000, s31;
	s1 =	sadd.s32 s1, s30  }
0x32: {  	s0 =	sor.u32 s3, s0;
	s1 =	sshll.u32 s1, $0x11  }
0x33: {  	s0 =	sor.u32 s1, s0  }
0x34: {  	s0 =	sadd.s32 $0x8F2B, s0  }
0x35: {  	[sflag:s0] =	ssyncadd.remote.s32 $0x1  }
0x36: {  	_ =	sfence.sel $0xFFFF  }
0x37: {  	[dreg:$0x0] =	wrdreg $0xFFFFFFFF;
	(pc) =	sbr.abs _section_cstart, $3  }
0x38: {  	[dreg:$0x1] =	wrdreg $0xFFFFFFFF  }
0x39: {  	_ =	task.clear_ibuf [dreg:s7], $0x2FFFF;
	_ =	strace $0x9FFFFFFF  }
0x3a: {  	(tm) =	ssettm $0x7FFFFFFF  }
0x3b: {  	_ =	shalt  }
tec
execute0_lowered:
.L_overlay_start_1:
0x0: {  	(tag) =	ssettag $0x1  }
0x1: {  	s0 =	srdreg.scid  }
0x2: {  	s1 =	sshll.u32 s0, $0x4  }
0x3: {  	s0 =	stileid.u32;
	s1 =	sand.u32 $0x10, s1  }
0x4: {  	s1 =	sor.u32 s0, s1  }
0x5: {  	s6 =	rddreg [dreg:$0x0];
	s4 =	simm.s32 $0x1;
	s2 =	sshll.u32 s1, $0x7  }
0x6: {  	s7 =	simm.s32 $0x2;
	s12 =	simm.s32 $0x0;
	s1 =	ssub.s32 $0x4000, s2  }
0x7: {  	s8 =	simm.s32 $0x20000;
	s13 =	simm.s32 $0x0;
	s3 =	sand.u32 $0xF80, s1  }
0x8: {  	s9 =	simm.s32 $0x0;
	s5 =	sshrl.u32 s1, $0xC;
	p0 =	sne.s32 s3, $0x0  }
.Ltmp0:
0x9: {  	s1 =	rddreg [dreg:$0x2];
	s4 =	simm.s32 @!p0 $0x0;
	(pc) =	sbr.rel .LBB1_1-.Ltmp0, $4  }
0xa: {  	s11 =	simm.s32 $0x0;
	s3 =	rddreg [dreg:$0x1];
	s5 =	sadd.s32 s4, s5  }
0xb: {  	_ =	strace $0x8000004A;
	s4 =	simm.s32 $0x1;
	s5 =	smul.u32 $0x14, s5  }
0xc: {  	s6 =	sadd.s32 $0xA00, s6;
	s10 =	smov.u32 s2;
	[sflag:s4] =	ssyncpa.u1 $0x0  }
0xd: {  	p0 =	por $0x0, $0x0;
	[sflag:s7] =	ssyncpa.u1 $0x0;
	s7 =	sor.u32 $0x1, s5  }
.LBB1_4:
0xe: {  	s16 =	sshll.u32 s13, $0x3;
	s17 =	sand.u32 $0x78, s13  }
0xf: {  	s30 =	sand.u32 $0xF800, s13;
	s12 =	sshll.u32 s12, $0x10;
	s16 =	sand.u32 $0x3C00, s16  }
0x10: {  	s31 =	sand.u32 $0x7, s13;
	s16 =	sor.u32 s17, s16;
	s17 =	sadd.s32 s3, s30  }
0x11: {  	s13 =	sshll.u32 s31, $0x12;
	s16 =	sshrl.u32 s16, $0x3;
	s12 =	sadd.s32 s12, s17  }
0x12: {  	[tilespmem:s15+$0x0 ss:$0x81] =	vst.msk $0xffff, v0;
	s13 =	sor.u32 $0x400, s13;
	s12 =	sadd.s32 s16, s12  }
0x13: {  	[hbm4b:s12+s13] =	stream.strided.scatter [tilespmem:s14], [sflag:$0x2], $0x1000, s8, s13, $0x20;
	[tilespmem:$0x4040] =	vst v63  }
.LBB1_5:
0x14: {  	s14 =	sadd.s32 $0x1, s9  }
0x15: {  	s12 =	sadd.s32 $0x1000, s10;
	s16 =	smov.u32 s10;
	p2 =	sgt.s32 s14, $0x13  }
0x16: {  	s16 =	smov.u32 @p2 s12  }
0x17: {  	s14 =	simm.s32 @p2 $0x0;
	p2 =	sgt.s32 s16, $0x3FFF  }
0x18: {  	s16 =	smov.u32 @p2 s2;
	p2 =	sne.s32 s11, s7  }
.Ltmp1:
0x19: {  	p1 =	slt.u32 s11, $0x2;
	(pc) =	sbr.rel @!p2 .LBB1_6-.Ltmp1, $4  }
0x1a: {  	s15 =	simm.s32 @!p1 $0x2  }
0x1b: {  	s13 =	smov.u32 s10;
	p0 =	por !p0, !p0;
	_ =	swait.ge @!p1 [sflag:s15], $0x1000  }
0x1c: {  	s12 =	smov.u32 s9;
	[sflag:s15] =	ssyncset.done @!p1 $0x0;
	s9 =	smov.u32 s14  }
0x1d: {  	s11 =	sadd.s32 $0x1, s11;
	[sflag:s15] =	ssyncadd.s32 @!p1 $0xFFFFF000;
	s10 =	smov.u32 s16  }
.LBB1_1:
0x1e: {  	p1 =	sge.u32 s11, s5  }
0x1f: {  	s14 =	sand.u32 @!p1 $0x1FFFFFF, s9  }
0x20: {  	s15 =	smulhi.u32 @!p1 $0xAAAAAAB, s14;
	_ =	sdelay $0x1  }
0x21: {  	s15 =	smul.u32 @!p1 $0x18, s15  }
0x22: {  	s16 =	sxor.u32 @!p1 $0xFFFFFFFF, s11;
	s17 =	smul.u32 @!p1 $0x180, s10  }
0x23: {  	s31 =	sadd.s32 $0xFFFFFFFF, s11;
	s16 =	sshll.u32 @!p1 s16, $0xC;
	s14 =	ssub.s32 @!p1 s14, s15  }
0x24: {  	s15 =	sand.u32 @!p1 $0x1000, s16;
	s16 =	sadd.s32 @!p1 s6, s17;
	s14 =	sshll.u32 @!p1 s14, $0x4  }
0x25: {  	s17 =	simm.s32 @!p1 $0xC00;
	s14 =	sadd.s32 @!p1 s14, s16;
	s16 =	simm.s32 @!p1 $0x20  }
0x26: {  	[tilespmem:s15], [sflag:$0x1] =	stream.strided.gather @!p1 [hbm4b:s14+s16], $0x1000, s17, s16, $0x38;
	[tilespmem:$0x4040] =	vst v63  }
0x27: {  	p1 =	sge.u32 s31, s5  }
.Ltmp2:
0x28: {  	_ = 	snop;
	(pc) =	sbr.rel @p1 .LBB1_5-.Ltmp2, $1  }
0x29: {  	_ =	sdelay $0x3  }
0x2a: {  	s14 =	simm.s32 $0x1  }
0x2b: {  	_ =	swait.ge [sflag:s4], $0x1000;
	s14 =	simm.s32 @!p0 $0x0  }
0x2c: {  	[sflag:s4] =	ssyncset.done $0x0;
	s15 =	sshll.u32 s14, $0xC  }
0x2d: {  	[sflag:s4] =	ssyncadd.s32 $0xFFFFF000;
	s18 =	sor.u32 $0x10, s15  }
0x2e: {  	s14 =	smul.u32 $0x4080, s14;
	v1 =	vld [tilespmem:s18+$0x0]  }
0x2f: {  	s30 =	sand.u32 $0x1, s11;
	v0 =	vld [tilespmem:s18+$0xFFFFFFF0]  }
0x30: {  	s15 =	smul.u32 $0x4080, s30;
	s14 =	sshrl.u32 s14, $0x2  }
0x31: {  	s16 =	sor.u32 $0x2000, s14  }
0x32: {  	s31 =	sshrl.u32 s15, $0x2;
	s15 =	sadd.s32 $0x0, s16  }
0x33: {  	s17 =	simm.s32 $0x4;
	s18 =	sadd.s32 $0x20, s18;
	s14 =	sor.u32 $0x2000, s31;
	[tilespmem:s15+$0x810 ss:$0x81] =	vst.msk $0xffff, v1  }
.LBB1_3:
0x34: {  	v1 =	vld [tilespmem:s18+$0x0];
	p1 =	sne.s32 s17, $0x1FC;
	[tilespmem:s15+$0x0 ss:$0x81] =	vst.msk $0xffff, v0;
	s15 =	smov.u32 s17;
	s17 =	sadd.s32 $0x4, s17  }
.Ltmp3:
0x35: {  	v0 =	vld [tilespmem:s18+$0xFFFFFFF0];
	(pc) =	sbr.rel @p1 .LBB1_3-.Ltmp3, $4  }
0x36: {  	_ = 	snop  }
0x37: {  	s15 =	sshra.s32 s15, $0x2  }
0x38: {  	s15 =	sadd.s32 s15, s16  }
0x39: {  	s18 =	sadd.s32 $0x20, s18;
	[tilespmem:s15+$0x810 ss:$0x81] =	vst.msk $0xffff, v1  }
.Ltmp4:
0x3a: {  	_ = 	snop;
	(pc) =	sbr.rel .LBB1_4-.Ltmp4, $1  }
0x3b: {  	_ =	sdelay $0x3  }
.LBB1_6:
0x3c: {  	_ =	sfence.sel $0x180000  }
0x3d: {  	s2 =	simm.s32 $0x1;
	[bflag:$0x0] =	sbarrier.arrive $0xFFFF  }
0x3e: {  	s31 =	simm.s32 $0x2;
	[sflag:s2] =	ssyncpa.u1 $0x1  }
0x3f: {  	[sflag:s31] =	ssyncpa.u1 $0x1  }
0x40: {  	p0 =	sne.s32 s0, $0x0;
	_ =	strace $0x9000004A  }
0x41: {  	s0 =	sadd.s32 @!p0 $0x100000, s1;
	[bflag:$0x2] =	sbarrier.arrive $0xFFFF  }
0x42: {  	[sflag:s0] =	ssyncadd.tile.s32 @!p0 $0x1;
	_ =	shalt  }
.Lfunc_end1:
_tile_overlayer_lowered:
.L_overlay_start_2:
0x43: {  	(tag) =	ssettag $0x2  }
0x44: {  	s0 =	rddreg [dreg:$0x0];
	s2 =	stileid.u32  }
0x45: {  	s1 =	rddreg [dreg:$0x1];
	p0 =	sne.s32 s2, $0x0  }
0x46: {  	s3 =	rddreg [dreg:$0x2];
	[bflag:$0x3] =	sbarrier.arrive $0xFFFF;
	s2 =	simm.s32 @!p0 $0x1C01  }
0x47: {  	[timem:s3], [sflag:s2] =	dma.local @!p0 [hbm:s0], s1  }
0x48: {  	s0 =	simm.s32 @!p0 $0x1  }
0x49: {  	_ =	swait.ge @!p0 [sflag:s0], s1  }
0x4a: {  	s1 =	ssub.s32 @!p0 $0x0, s1;
	[sflag:s0] =	ssyncset.done @!p0 $0x0  }
0x4b: {  	[sflag:s0] =	ssyncadd.s32 @!p0 s1  }
0x4c: {  	[bflag:$0x3] =	sbarrier.arrive $0xFFFF  }
0x4d: {  	_ =	shalt  }

</sc_bundles>
